<compile_context>
chip_gen: v7x
topology: tpu7x:2x2x1
jax: 0.10.2.dev20260603
libtpu: 0.0.44.dev20260713+nightly
codegen_flags: <defaults>
</compile_context>

<pallas_src>
import functools

import jax
import jax.numpy as jnp
from jax import lax
from jax.experimental import pallas as pl
from jax.experimental.pallas import tpu as pltpu
from jax.experimental.pallas import tpu_sc as plsc

N = 16384
D = 64
T = 8192
MARGIN = 0.2
L = 16


def _build_kernel(num_cores, num_subcores):
    NW = num_cores * num_subcores
    TPW = T // NW
    CH = 64
    IDX_ROWS = TPW // CH

    mesh = plsc.VectorSubcoreMesh(core_axis_name="c", subcore_axis_name="s")

    @functools.partial(
        pl.kernel,
        mesh=mesh,
        compiler_params=pltpu.CompilerParams(needs_layout_passes=False,
                                             use_tc_tiling_on_sc=False),
        out_type=jax.ShapeDtypeStruct((num_cores, L), jnp.float32),
        scratch_types=[
            pltpu.VMEM((IDX_ROWS, CH), jnp.int32),
            pltpu.VMEM((IDX_ROWS, CH), jnp.int32),
            pltpu.VMEM((IDX_ROWS, CH), jnp.int32),
            pltpu.VMEM((TPW, D), jnp.float32),
            pltpu.VMEM((TPW, D), jnp.float32),
            pltpu.VMEM((TPW, D), jnp.float32),
            pltpu.VMEM((L,), jnp.float32),
            pltpu.VMEM_SHARED((num_subcores, L), jnp.float32),
            pltpu.VMEM((num_subcores, L), jnp.float32),
            pltpu.SemaphoreType.DMA,
        ],
    )
    def triplet_loss_kernel(eeg_hbm, img_hbm, aidx_hbm, pidx_hbm, nidx_hbm,
                            out_hbm, aidx_v, pidx_v, nidx_v, a_v, p_v, n_v,
                            part_v, shared, red_v, sem):
        cid = lax.axis_index("c")
        sid = lax.axis_index("s")
        wid = cid * num_subcores + sid

        i0 = pltpu.async_copy(aidx_hbm.at[pl.ds(wid * IDX_ROWS, IDX_ROWS)],
                              aidx_v, sem)
        i1 = pltpu.async_copy(pidx_hbm.at[pl.ds(wid * IDX_ROWS, IDX_ROWS)],
                              pidx_v, sem)
        i2 = pltpu.async_copy(nidx_hbm.at[pl.ds(wid * IDX_ROWS, IDX_ROWS)],
                              nidx_v, sem)
        i0.wait()
        i1.wait()
        i2.wait()

        copies = []
        for c in range(IDX_ROWS):
            dst = pl.ds(c * CH, CH)
            copies.append((pltpu.async_copy(eeg_hbm.at[aidx_v.at[c]],
                                            a_v.at[dst], sem),
                           pltpu.async_copy(img_hbm.at[pidx_v.at[c]],
                                            p_v.at[dst], sem),
                           pltpu.async_copy(img_hbm.at[nidx_v.at[c]],
                                            n_v.at[dst], sem)))

        def pass1(i, acc):
            s = jnp.zeros((L,), jnp.float32)
            for k in range(D // L):
                ck = pl.ds(k * L, L)
                s = s + a_v[i, ck] * (n_v[i, ck] - p_v[i, ck])
            return acc + jnp.maximum(jnp.sum(s) + MARGIN, 0.0)

        acc = jnp.float32(0.0)
        for c in range(IDX_ROWS):
            for cp in copies[c]:
                cp.wait()
            acc = plsc.parallel_loop(c * CH, (c + 1) * CH, unroll=8,
                                     carry=acc)(pass1)

        lane0 = lax.iota(jnp.int32, L)
        part_v[:] = jnp.where(lane0 == 0, acc, 0.0)
        pltpu.sync_copy(part_v, shared.at[sid])
        plsc.subcore_barrier()

        @pl.when(sid == 0)
        def _():
            pltpu.sync_copy(shared, red_v)
            tot = jnp.zeros((L,), jnp.float32)
            for r in range(num_subcores):
                tot = tot + red_v[r, :]
            total = jnp.sum(tot)
            lane = lax.iota(jnp.int32, L)
            part_v[:] = jnp.where(lane == 0, total, 0.0)
            pltpu.sync_copy(part_v, out_hbm.at[cid])

    return triplet_loss_kernel


def kernel(eeg_embeddings, img_embeddings, target, triplets):
    info = plsc.get_sparse_core_info()
    num_cores, num_subcores = info.num_cores, info.num_subcores
    tri = triplets.astype(jnp.int32)
    aidx = tri[:, 0].reshape(T // 64, 64)
    pidx = tri[:, 1].reshape(T // 64, 64)
    nidx = tri[:, 2].reshape(T // 64, 64)
    fn = _build_kernel(num_cores, num_subcores)
    out = fn(eeg_embeddings, img_embeddings, aidx, pidx, nidx)
    loss = jnp.sum(out[:, 0]) * (1.0 / T)
    return (loss, jnp.asarray(T))

# --- scband reference (transcript-rebuilt; emitter-appended) ---
"""Pipeline reference for scband-online-triplet-loss-78649441124575 (READ-ONLY COPY).

The authoritative reference and input builder live on the scoring server;
editing this copy changes nothing except your own understanding.
"""

import jax, jax.numpy as jnp
import numpy as np

N = 16384
D = 64
T = 8192
NUM_CLASSES = 1000
MARGIN = 0.2

def setup_inputs(seed: int = 0) -> dict:
    key = jax.random.key(seed)
    k1, k2, k3, k4 = jax.random.split(key, 4)
    eeg_embeddings = jax.random.normal(k1, (N, D), dtype=jnp.float32)
    img_embeddings = jax.random.normal(k2, (N, D), dtype=jnp.float32)
    target = jax.random.randint(k3, (N,), 0, NUM_CLASSES, dtype=jnp.int64 if jax.config.jax_enable_x64 else jnp.int32)
    # Precomputed triplet indices standing in for triplet_selector.get_triplets(...)
    triplets = jax.random.randint(k4, (T, 3), 0, N, dtype=jnp.int64 if jax.config.jax_enable_x64 else jnp.int32)
    return {"eeg_embeddings": eeg_embeddings, "img_embeddings": img_embeddings, "target": target, "triplets": triplets}

def _compat_F(eeg_embeds, image_embeds):
    # dot product between EEG and image representations, row-wise
    return jnp.sum(eeg_embeds * image_embeds, axis=-1)

def reference(eeg_embeddings, img_embeddings, target, triplets):
    # triplets: (num_triplets, 3) int indices [anchor_eeg, positive_img, negative_img]
    anchor = jnp.take(eeg_embeddings, triplets[:, 0], axis=0)
    pos_img = jnp.take(img_embeddings, triplets[:, 1], axis=0)
    neg_img = jnp.take(img_embeddings, triplets[:, 2], axis=0)
    pos_sim = _compat_F(anchor, pos_img)
    neg_sim = _compat_F(anchor, neg_img)
    losses = jax.nn.relu(neg_sim - pos_sim + MARGIN)
    return (losses.mean(), jnp.asarray(triplets.shape[0]))

if __name__ == "__main__":
    import jax
    _d = setup_inputs()
    print(jax.jit(kernel)(*tuple(_d.values())))

</pallas_src>

<mosaic_0001>
#map = affine_map<(d0, d1) -> (0, 0)>
module attributes {stable_mosaic.version = 14 : i64} {
  func.func @triplet_loss_kernel(%arg0: i32, %arg1: i32, %arg2: memref<16384x64xf32, #tpu.memory_space<hbm>>, %arg3: memref<16384x64xf32, #tpu.memory_space<hbm>>, %arg4: memref<128x64xi32, #tpu.memory_space<hbm>>, %arg5: memref<128x64xi32, #tpu.memory_space<hbm>>, %arg6: memref<128x64xi32, #tpu.memory_space<hbm>>, %arg7: memref<2x16xf32, #tpu.memory_space<hbm>>, %arg8: memref<4x64xi32, #tpu.memory_space<vmem>>, %arg9: memref<4x64xi32, #tpu.memory_space<vmem>>, %arg10: memref<4x64xi32, #tpu.memory_space<vmem>>, %arg11: memref<256x64xf32, #tpu.memory_space<vmem>>, %arg12: memref<256x64xf32, #tpu.memory_space<vmem>>, %arg13: memref<256x64xf32, #tpu.memory_space<vmem>>, %arg14: memref<16xf32, #tpu.memory_space<vmem>>, %arg15: memref<16x16xf32, #tpu.memory_space<vmem_shared>>, %arg16: memref<16x16xf32, #tpu.memory_space<vmem>>, %arg17: memref<!tpu.dma_semaphore, #tpu.memory_space<semaphore_mem>>) attributes {dimension_semantics = [#tpu.dimension_semantics<core_parallel>, #tpu.dimension_semantics<subcore_parallel>], iteration_bounds = array<i64: 2, 16>, scalar_prefetch = 0 : i64, scratch_operands = 10 : i64, tpu.core_type = #tpu.core_type<sc_vector_subcore>, window_params = [{transform_indices = #map}, {transform_indices = #map}, {transform_indices = #map}, {transform_indices = #map}, {transform_indices = #map}, {transform_indices = #map}]} {
    %mul3A = arith.constant 16 : i32
    %mul3A_0 = arith.muli %arg0, %mul3A : i32
    %add3A = arith.addi %mul3A_0, %arg1 : i32
    %mul3A_1 = arith.constant 4 : i32
    %mul3A_2 = arith.muli %add3A, %mul3A_1 : i32
    %dma_start3A = arith.constant 0 : i32
    %dma_start3A_3 = tpu.memref_slice %arg4[%mul3A_2, %dma_start3A] : memref<128x64xi32, #tpu.memory_space<hbm>> -> memref<4x64xi32, #tpu.memory_space<hbm>>
    %dma_start3A_4 = arith.constant 0 : i32
    %dma_start3A_5 = tpu.memref_slice %arg4[%mul3A_2, %dma_start3A_4] : memref<128x64xi32, #tpu.memory_space<hbm>> -> memref<4x64xi32, #tpu.memory_space<hbm>>
    tpu.enqueue_dma source(%dma_start3A_5 : memref<4x64xi32, #tpu.memory_space<hbm>>) target(%arg8 : memref<4x64xi32, #tpu.memory_space<vmem>>) target_semaphore(%arg17 : memref<!tpu.dma_semaphore, #tpu.memory_space<semaphore_mem>>)
    %mul3A_6 = arith.constant 4 : i32
    %mul3A_7 = arith.muli %add3A, %mul3A_6 : i32
    %dma_start3A_8 = arith.constant 0 : i32
    %dma_start3A_9 = tpu.memref_slice %arg5[%mul3A_7, %dma_start3A_8] : memref<128x64xi32, #tpu.memory_space<hbm>> -> memref<4x64xi32, #tpu.memory_space<hbm>>
    %dma_start3A_10 = arith.constant 0 : i32
    %dma_start3A_11 = tpu.memref_slice %arg5[%mul3A_7, %dma_start3A_10] : memref<128x64xi32, #tpu.memory_space<hbm>> -> memref<4x64xi32, #tpu.memory_space<hbm>>
    tpu.enqueue_dma source(%dma_start3A_11 : memref<4x64xi32, #tpu.memory_space<hbm>>) target(%arg9 : memref<4x64xi32, #tpu.memory_space<vmem>>) target_semaphore(%arg17 : memref<!tpu.dma_semaphore, #tpu.memory_space<semaphore_mem>>)
    %mul3A_12 = arith.constant 4 : i32
    %mul3A_13 = arith.muli %add3A, %mul3A_12 : i32
    %dma_start3A_14 = arith.constant 0 : i32
    %dma_start3A_15 = tpu.memref_slice %arg6[%mul3A_13, %dma_start3A_14] : memref<128x64xi32, #tpu.memory_space<hbm>> -> memref<4x64xi32, #tpu.memory_space<hbm>>
    %dma_start3A_16 = arith.constant 0 : i32
    %dma_start3A_17 = tpu.memref_slice %arg6[%mul3A_13, %dma_start3A_16] : memref<128x64xi32, #tpu.memory_space<hbm>> -> memref<4x64xi32, #tpu.memory_space<hbm>>
    tpu.enqueue_dma source(%dma_start3A_17 : memref<4x64xi32, #tpu.memory_space<hbm>>) target(%arg10 : memref<4x64xi32, #tpu.memory_space<vmem>>) target_semaphore(%arg17 : memref<!tpu.dma_semaphore, #tpu.memory_space<semaphore_mem>>)
    %dma_wait3A = arith.constant 0 : i32
    %dma_wait3A_18 = tpu.memref_slice %arg4[%mul3A_2, %dma_wait3A] : memref<128x64xi32, #tpu.memory_space<hbm>> -> memref<4x64xi32, #tpu.memory_space<hbm>>
    %dma_wait3A_19 = arith.constant 0 : i32
    %dma_wait3A_20 = tpu.memref_slice %arg4[%mul3A_2, %dma_wait3A_19] : memref<128x64xi32, #tpu.memory_space<hbm>> -> memref<4x64xi32, #tpu.memory_space<hbm>>
    tpu.wait_dma2 semaphore(%arg17 : memref<!tpu.dma_semaphore, #tpu.memory_space<semaphore_mem>>) src(%dma_wait3A_20 : memref<4x64xi32, #tpu.memory_space<hbm>>) dst(%arg8 : memref<4x64xi32, #tpu.memory_space<vmem>>)
    %dma_wait3A_21 = arith.constant 0 : i32
    %dma_wait3A_22 = tpu.memref_slice %arg5[%mul3A_7, %dma_wait3A_21] : memref<128x64xi32, #tpu.memory_space<hbm>> -> memref<4x64xi32, #tpu.memory_space<hbm>>
    %dma_wait3A_23 = arith.constant 0 : i32
    %dma_wait3A_24 = tpu.memref_slice %arg5[%mul3A_7, %dma_wait3A_23] : memref<128x64xi32, #tpu.memory_space<hbm>> -> memref<4x64xi32, #tpu.memory_space<hbm>>
    tpu.wait_dma2 semaphore(%arg17 : memref<!tpu.dma_semaphore, #tpu.memory_space<semaphore_mem>>) src(%dma_wait3A_24 : memref<4x64xi32, #tpu.memory_space<hbm>>) dst(%arg9 : memref<4x64xi32, #tpu.memory_space<vmem>>)
    %dma_wait3A_25 = arith.constant 0 : i32
    %dma_wait3A_26 = tpu.memref_slice %arg6[%mul3A_13, %dma_wait3A_25] : memref<128x64xi32, #tpu.memory_space<hbm>> -> memref<4x64xi32, #tpu.memory_space<hbm>>
    %dma_wait3A_27 = arith.constant 0 : i32
    %dma_wait3A_28 = tpu.memref_slice %arg6[%mul3A_13, %dma_wait3A_27] : memref<128x64xi32, #tpu.memory_space<hbm>> -> memref<4x64xi32, #tpu.memory_space<hbm>>
    tpu.wait_dma2 semaphore(%arg17 : memref<!tpu.dma_semaphore, #tpu.memory_space<semaphore_mem>>) src(%dma_wait3A_28 : memref<4x64xi32, #tpu.memory_space<hbm>>) dst(%arg10 : memref<4x64xi32, #tpu.memory_space<vmem>>)
    %dma_start3A_29 = arith.constant 0 : i32
    %dma_start3A_30 = arith.constant 0 : i32
    %dma_start3A_31 = arith.constant 0 : i32
    %dma_start3A_32 = tpu.memref_slice %arg11[%dma_start3A_30, %dma_start3A_31] : memref<256x64xf32, #tpu.memory_space<vmem>> -> memref<64x64xf32, #tpu.memory_space<vmem>>
    %dma_start3A_33 = arith.constant 0 : i32
    %dma_start3A_34 = tpu.memref_slice %arg8[%dma_start3A_29, %dma_start3A_33] : memref<4x64xi32, #tpu.memory_space<vmem>> -> memref<1x64xi32, #tpu.memory_space<vmem>>
    %dma_start3A_35 = tpu.memref_squeeze %dma_start3A_34 : memref<1x64xi32, #tpu.memory_space<vmem>> -> memref<64xi32, #tpu.memory_space<vmem>>
    %dma_start3A_36 = arith.constant 0 : i32
    %dma_start3A_37 = arith.constant 0 : i32
    %dma_start3A_38 = tpu.memref_slice %arg2[%dma_start3A_36, %dma_start3A_37] : memref<16384x64xf32, #tpu.memory_space<hbm>> -> memref<16384x64xf32, #tpu.memory_space<hbm>>
    tpu.enqueue_indirect_dma source(%dma_start3A_38 : memref<16384x64xf32, #tpu.memory_space<hbm>>) target(%dma_start3A_32 : memref<64x64xf32, #tpu.memory_space<vmem>>) offsets(%dma_start3A_35 : memref<64xi32, #tpu.memory_space<vmem>>) semaphore(%arg17 : memref<!tpu.dma_semaphore, #tpu.memory_space<semaphore_mem>>)
    %dma_start3A_39 = arith.constant 0 : i32
    %dma_start3A_40 = arith.constant 0 : i32
    %dma_start3A_41 = arith.constant 0 : i32
    %dma_start3A_42 = tpu.memref_slice %arg12[%dma_start3A_40, %dma_start3A_41] : memref<256x64xf32, #tpu.memory_space<vmem>> -> memref<64x64xf32, #tpu.memory_space<vmem>>
    %dma_start3A_43 = arith.constant 0 : i32
    %dma_start3A_44 = tpu.memref_slice %arg9[%dma_start3A_39, %dma_start3A_43] : memref<4x64xi32, #tpu.memory_space<vmem>> -> memref<1x64xi32, #tpu.memory_space<vmem>>
    %dma_start3A_45 = tpu.memref_squeeze %dma_start3A_44 : memref<1x64xi32, #tpu.memory_space<vmem>> -> memref<64xi32, #tpu.memory_space<vmem>>
    %dma_start3A_46 = arith.constant 0 : i32
    %dma_start3A_47 = arith.constant 0 : i32
    %dma_start3A_48 = tpu.memref_slice %arg3[%dma_start3A_46, %dma_start3A_47] : memref<16384x64xf32, #tpu.memory_space<hbm>> -> memref<16384x64xf32, #tpu.memory_space<hbm>>
    tpu.enqueue_indirect_dma source(%dma_start3A_48 : memref<16384x64xf32, #tpu.memory_space<hbm>>) target(%dma_start3A_42 : memref<64x64xf32, #tpu.memory_space<vmem>>) offsets(%dma_start3A_45 : memref<64xi32, #tpu.memory_space<vmem>>) semaphore(%arg17 : memref<!tpu.dma_semaphore, #tpu.memory_space<semaphore_mem>>)
    %dma_start3A_49 = arith.constant 0 : i32
    %dma_start3A_50 = arith.constant 0 : i32
    %dma_start3A_51 = arith.constant 0 : i32
    %dma_start3A_52 = tpu.memref_slice %arg13[%dma_start3A_50, %dma_start3A_51] : memref<256x64xf32, #tpu.memory_space<vmem>> -> memref<64x64xf32, #tpu.memory_space<vmem>>
    %dma_start3A_53 = arith.constant 0 : i32
    %dma_start3A_54 = tpu.memref_slice %arg10[%dma_start3A_49, %dma_start3A_53] : memref<4x64xi32, #tpu.memory_space<vmem>> -> memref<1x64xi32, #tpu.memory_space<vmem>>
    %dma_start3A_55 = tpu.memref_squeeze %dma_start3A_54 : memref<1x64xi32, #tpu.memory_space<vmem>> -> memref<64xi32, #tpu.memory_space<vmem>>
    %dma_start3A_56 = arith.constant 0 : i32
    %dma_start3A_57 = arith.constant 0 : i32
    %dma_start3A_58 = tpu.memref_slice %arg3[%dma_start3A_56, %dma_start3A_57] : memref<16384x64xf32, #tpu.memory_space<hbm>> -> memref<16384x64xf32, #tpu.memory_space<hbm>>
    tpu.enqueue_indirect_dma source(%dma_start3A_58 : memref<16384x64xf32, #tpu.memory_space<hbm>>) target(%dma_start3A_52 : memref<64x64xf32, #tpu.memory_space<vmem>>) offsets(%dma_start3A_55 : memref<64xi32, #tpu.memory_space<vmem>>) semaphore(%arg17 : memref<!tpu.dma_semaphore, #tpu.memory_space<semaphore_mem>>)
    %dma_start3A_59 = arith.constant 1 : i32
    %dma_start3A_60 = arith.constant 64 : i32
    %dma_start3A_61 = arith.constant 0 : i32
    %dma_start3A_62 = tpu.memref_slice %arg11[%dma_start3A_60, %dma_start3A_61] : memref<256x64xf32, #tpu.memory_space<vmem>> -> memref<64x64xf32, #tpu.memory_space<vmem>>
    %dma_start3A_63 = arith.constant 0 : i32
    %dma_start3A_64 = tpu.memref_slice %arg8[%dma_start3A_59, %dma_start3A_63] : memref<4x64xi32, #tpu.memory_space<vmem>> -> memref<1x64xi32, #tpu.memory_space<vmem>>
    %dma_start3A_65 = tpu.memref_squeeze %dma_start3A_64 : memref<1x64xi32, #tpu.memory_space<vmem>> -> memref<64xi32, #tpu.memory_space<vmem>>
    %dma_start3A_66 = arith.constant 0 : i32
    %dma_start3A_67 = arith.constant 0 : i32
    %dma_start3A_68 = tpu.memref_slice %arg2[%dma_start3A_66, %dma_start3A_67] : memref<16384x64xf32, #tpu.memory_space<hbm>> -> memref<16384x64xf32, #tpu.memory_space<hbm>>
    tpu.enqueue_indirect_dma source(%dma_start3A_68 : memref<16384x64xf32, #tpu.memory_space<hbm>>) target(%dma_start3A_62 : memref<64x64xf32, #tpu.memory_space<vmem>>) offsets(%dma_start3A_65 : memref<64xi32, #tpu.memory_space<vmem>>) semaphore(%arg17 : memref<!tpu.dma_semaphore, #tpu.memory_space<semaphore_mem>>)
    %dma_start3A_69 = arith.constant 1 : i32
    %dma_start3A_70 = arith.constant 64 : i32
    %dma_start3A_71 = arith.constant 0 : i32
    %dma_start3A_72 = tpu.memref_slice %arg12[%dma_start3A_70, %dma_start3A_71] : memref<256x64xf32, #tpu.memory_space<vmem>> -> memref<64x64xf32, #tpu.memory_space<vmem>>
    %dma_start3A_73 = arith.constant 0 : i32
    %dma_start3A_74 = tpu.memref_slice %arg9[%dma_start3A_69, %dma_start3A_73] : memref<4x64xi32, #tpu.memory_space<vmem>> -> memref<1x64xi32, #tpu.memory_space<vmem>>
    %dma_start3A_75 = tpu.memref_squeeze %dma_start3A_74 : memref<1x64xi32, #tpu.memory_space<vmem>> -> memref<64xi32, #tpu.memory_space<vmem>>
    %dma_start3A_76 = arith.constant 0 : i32
    %dma_start3A_77 = arith.constant 0 : i32
    %dma_start3A_78 = tpu.memref_slice %arg3[%dma_start3A_76, %dma_start3A_77] : memref<16384x64xf32, #tpu.memory_space<hbm>> -> memref<16384x64xf32, #tpu.memory_space<hbm>>
    tpu.enqueue_indirect_dma source(%dma_start3A_78 : memref<16384x64xf32, #tpu.memory_space<hbm>>) target(%dma_start3A_72 : memref<64x64xf32, #tpu.memory_space<vmem>>) offsets(%dma_start3A_75 : memref<64xi32, #tpu.memory_space<vmem>>) semaphore(%arg17 : memref<!tpu.dma_semaphore, #tpu.memory_space<semaphore_mem>>)
    %dma_start3A_79 = arith.constant 1 : i32
    %dma_start3A_80 = arith.constant 64 : i32
    %dma_start3A_81 = arith.constant 0 : i32
    %dma_start3A_82 = tpu.memref_slice %arg13[%dma_start3A_80, %dma_start3A_81] : memref<256x64xf32, #tpu.memory_space<vmem>> -> memref<64x64xf32, #tpu.memory_space<vmem>>
    %dma_start3A_83 = arith.constant 0 : i32
    %dma_start3A_84 = tpu.memref_slice %arg10[%dma_start3A_79, %dma_start3A_83] : memref<4x64xi32, #tpu.memory_space<vmem>> -> memref<1x64xi32, #tpu.memory_space<vmem>>
    %dma_start3A_85 = tpu.memref_squeeze %dma_start3A_84 : memref<1x64xi32, #tpu.memory_space<vmem>> -> memref<64xi32, #tpu.memory_space<vmem>>
    %dma_start3A_86 = arith.constant 0 : i32
    %dma_start3A_87 = arith.constant 0 : i32
    %dma_start3A_88 = tpu.memref_slice %arg3[%dma_start3A_86, %dma_start3A_87] : memref<16384x64xf32, #tpu.memory_space<hbm>> -> memref<16384x64xf32, #tpu.memory_space<hbm>>
    tpu.enqueue_indirect_dma source(%dma_start3A_88 : memref<16384x64xf32, #tpu.memory_space<hbm>>) target(%dma_start3A_82 : memref<64x64xf32, #tpu.memory_space<vmem>>) offsets(%dma_start3A_85 : memref<64xi32, #tpu.memory_space<vmem>>) semaphore(%arg17 : memref<!tpu.dma_semaphore, #tpu.memory_space<semaphore_mem>>)
    %dma_start3A_89 = arith.constant 2 : i32
    %dma_start3A_90 = arith.constant 128 : i32
    %dma_start3A_91 = arith.constant 0 : i32
    %dma_start3A_92 = tpu.memref_slice %arg11[%dma_start3A_90, %dma_start3A_91] : memref<256x64xf32, #tpu.memory_space<vmem>> -> memref<64x64xf32, #tpu.memory_space<vmem>>
    %dma_start3A_93 = arith.constant 0 : i32
    %dma_start3A_94 = tpu.memref_slice %arg8[%dma_start3A_89, %dma_start3A_93] : memref<4x64xi32, #tpu.memory_space<vmem>> -> memref<1x64xi32, #tpu.memory_space<vmem>>
    %dma_start3A_95 = tpu.memref_squeeze %dma_start3A_94 : memref<1x64xi32, #tpu.memory_space<vmem>> -> memref<64xi32, #tpu.memory_space<vmem>>
    %dma_start3A_96 = arith.constant 0 : i32
    %dma_start3A_97 = arith.constant 0 : i32
    %dma_start3A_98 = tpu.memref_slice %arg2[%dma_start3A_96, %dma_start3A_97] : memref<16384x64xf32, #tpu.memory_space<hbm>> -> memref<16384x64xf32, #tpu.memory_space<hbm>>
    tpu.enqueue_indirect_dma source(%dma_start3A_98 : memref<16384x64xf32, #tpu.memory_space<hbm>>) target(%dma_start3A_92 : memref<64x64xf32, #tpu.memory_space<vmem>>) offsets(%dma_start3A_95 : memref<64xi32, #tpu.memory_space<vmem>>) semaphore(%arg17 : memref<!tpu.dma_semaphore, #tpu.memory_space<semaphore_mem>>)
    %dma_start3A_99 = arith.constant 2 : i32
    %dma_start3A_100 = arith.constant 128 : i32
    %dma_start3A_101 = arith.constant 0 : i32
    %dma_start3A_102 = tpu.memref_slice %arg12[%dma_start3A_100, %dma_start3A_101] : memref<256x64xf32, #tpu.memory_space<vmem>> -> memref<64x64xf32, #tpu.memory_space<vmem>>
    %dma_start3A_103 = arith.constant 0 : i32
    %dma_start3A_104 = tpu.memref_slice %arg9[%dma_start3A_99, %dma_start3A_103] : memref<4x64xi32, #tpu.memory_space<vmem>> -> memref<1x64xi32, #tpu.memory_space<vmem>>
    %dma_start3A_105 = tpu.memref_squeeze %dma_start3A_104 : memref<1x64xi32, #tpu.memory_space<vmem>> -> memref<64xi32, #tpu.memory_space<vmem>>
    %dma_start3A_106 = arith.constant 0 : i32
    %dma_start3A_107 = arith.constant 0 : i32
    %dma_start3A_108 = tpu.memref_slice %arg3[%dma_start3A_106, %dma_start3A_107] : memref<16384x64xf32, #tpu.memory_space<hbm>> -> memref<16384x64xf32, #tpu.memory_space<hbm>>
    tpu.enqueue_indirect_dma source(%dma_start3A_108 : memref<16384x64xf32, #tpu.memory_space<hbm>>) target(%dma_start3A_102 : memref<64x64xf32, #tpu.memory_space<vmem>>) offsets(%dma_start3A_105 : memref<64xi32, #tpu.memory_space<vmem>>) semaphore(%arg17 : memref<!tpu.dma_semaphore, #tpu.memory_space<semaphore_mem>>)
    %dma_start3A_109 = arith.constant 2 : i32
    %dma_start3A_110 = arith.constant 128 : i32
    %dma_start3A_111 = arith.constant 0 : i32
    %dma_start3A_112 = tpu.memref_slice %arg13[%dma_start3A_110, %dma_start3A_111] : memref<256x64xf32, #tpu.memory_space<vmem>> -> memref<64x64xf32, #tpu.memory_space<vmem>>
    %dma_start3A_113 = arith.constant 0 : i32
    %dma_start3A_114 = tpu.memref_slice %arg10[%dma_start3A_109, %dma_start3A_113] : memref<4x64xi32, #tpu.memory_space<vmem>> -> memref<1x64xi32, #tpu.memory_space<vmem>>
    %dma_start3A_115 = tpu.memref_squeeze %dma_start3A_114 : memref<1x64xi32, #tpu.memory_space<vmem>> -> memref<64xi32, #tpu.memory_space<vmem>>
    %dma_start3A_116 = arith.constant 0 : i32
    %dma_start3A_117 = arith.constant 0 : i32
    %dma_start3A_118 = tpu.memref_slice %arg3[%dma_start3A_116, %dma_start3A_117] : memref<16384x64xf32, #tpu.memory_space<hbm>> -> memref<16384x64xf32, #tpu.memory_space<hbm>>
    tpu.enqueue_indirect_dma source(%dma_start3A_118 : memref<16384x64xf32, #tpu.memory_space<hbm>>) target(%dma_start3A_112 : memref<64x64xf32, #tpu.memory_space<vmem>>) offsets(%dma_start3A_115 : memref<64xi32, #tpu.memory_space<vmem>>) semaphore(%arg17 : memref<!tpu.dma_semaphore, #tpu.memory_space<semaphore_mem>>)
    %dma_start3A_119 = arith.constant 3 : i32
    %dma_start3A_120 = arith.constant 192 : i32
    %dma_start3A_121 = arith.constant 0 : i32
    %dma_start3A_122 = tpu.memref_slice %arg11[%dma_start3A_120, %dma_start3A_121] : memref<256x64xf32, #tpu.memory_space<vmem>> -> memref<64x64xf32, #tpu.memory_space<vmem>>
    %dma_start3A_123 = arith.constant 0 : i32
    %dma_start3A_124 = tpu.memref_slice %arg8[%dma_start3A_119, %dma_start3A_123] : memref<4x64xi32, #tpu.memory_space<vmem>> -> memref<1x64xi32, #tpu.memory_space<vmem>>
    %dma_start3A_125 = tpu.memref_squeeze %dma_start3A_124 : memref<1x64xi32, #tpu.memory_space<vmem>> -> memref<64xi32, #tpu.memory_space<vmem>>
    %dma_start3A_126 = arith.constant 0 : i32
    %dma_start3A_127 = arith.constant 0 : i32
    %dma_start3A_128 = tpu.memref_slice %arg2[%dma_start3A_126, %dma_start3A_127] : memref<16384x64xf32, #tpu.memory_space<hbm>> -> memref<16384x64xf32, #tpu.memory_space<hbm>>
    tpu.enqueue_indirect_dma source(%dma_start3A_128 : memref<16384x64xf32, #tpu.memory_space<hbm>>) target(%dma_start3A_122 : memref<64x64xf32, #tpu.memory_space<vmem>>) offsets(%dma_start3A_125 : memref<64xi32, #tpu.memory_space<vmem>>) semaphore(%arg17 : memref<!tpu.dma_semaphore, #tpu.memory_space<semaphore_mem>>)
    %dma_start3A_129 = arith.constant 3 : i32
    %dma_start3A_130 = arith.constant 192 : i32
    %dma_start3A_131 = arith.constant 0 : i32
    %dma_start3A_132 = tpu.memref_slice %arg12[%dma_start3A_130, %dma_start3A_131] : memref<256x64xf32, #tpu.memory_space<vmem>> -> memref<64x64xf32, #tpu.memory_space<vmem>>
    %dma_start3A_133 = arith.constant 0 : i32
    %dma_start3A_134 = tpu.memref_slice %arg9[%dma_start3A_129, %dma_start3A_133] : memref<4x64xi32, #tpu.memory_space<vmem>> -> memref<1x64xi32, #tpu.memory_space<vmem>>
    %dma_start3A_135 = tpu.memref_squeeze %dma_start3A_134 : memref<1x64xi32, #tpu.memory_space<vmem>> -> memref<64xi32, #tpu.memory_space<vmem>>
    %dma_start3A_136 = arith.constant 0 : i32
    %dma_start3A_137 = arith.constant 0 : i32
    %dma_start3A_138 = tpu.memref_slice %arg3[%dma_start3A_136, %dma_start3A_137] : memref<16384x64xf32, #tpu.memory_space<hbm>> -> memref<16384x64xf32, #tpu.memory_space<hbm>>
    tpu.enqueue_indirect_dma source(%dma_start3A_138 : memref<16384x64xf32, #tpu.memory_space<hbm>>) target(%dma_start3A_132 : memref<64x64xf32, #tpu.memory_space<vmem>>) offsets(%dma_start3A_135 : memref<64xi32, #tpu.memory_space<vmem>>) semaphore(%arg17 : memref<!tpu.dma_semaphore, #tpu.memory_space<semaphore_mem>>)
    %dma_start3A_139 = arith.constant 3 : i32
    %dma_start3A_140 = arith.constant 192 : i32
    %dma_start3A_141 = arith.constant 0 : i32
    %dma_start3A_142 = tpu.memref_slice %arg13[%dma_start3A_140, %dma_start3A_141] : memref<256x64xf32, #tpu.memory_space<vmem>> -> memref<64x64xf32, #tpu.memory_space<vmem>>
    %dma_start3A_143 = arith.constant 0 : i32
    %dma_start3A_144 = tpu.memref_slice %arg10[%dma_start3A_139, %dma_start3A_143] : memref<4x64xi32, #tpu.memory_space<vmem>> -> memref<1x64xi32, #tpu.memory_space<vmem>>
    %dma_start3A_145 = tpu.memref_squeeze %dma_start3A_144 : memref<1x64xi32, #tpu.memory_space<vmem>> -> memref<64xi32, #tpu.memory_space<vmem>>
    %dma_start3A_146 = arith.constant 0 : i32
    %dma_start3A_147 = arith.constant 0 : i32
    %dma_start3A_148 = tpu.memref_slice %arg3[%dma_start3A_146, %dma_start3A_147] : memref<16384x64xf32, #tpu.memory_space<hbm>> -> memref<16384x64xf32, #tpu.memory_space<hbm>>
    tpu.enqueue_indirect_dma source(%dma_start3A_148 : memref<16384x64xf32, #tpu.memory_space<hbm>>) target(%dma_start3A_142 : memref<64x64xf32, #tpu.memory_space<vmem>>) offsets(%dma_start3A_145 : memref<64xi32, #tpu.memory_space<vmem>>) semaphore(%arg17 : memref<!tpu.dma_semaphore, #tpu.memory_space<semaphore_mem>>)
    %dma_wait3A_149 = arith.constant 0 : i32
    %dma_wait3A_150 = arith.constant 0 : i32
    %dma_wait3A_151 = arith.constant 0 : i32
    %dma_wait3A_152 = tpu.memref_slice %arg11[%dma_wait3A_150, %dma_wait3A_151] : memref<256x64xf32, #tpu.memory_space<vmem>> -> memref<64x64xf32, #tpu.memory_space<vmem>>
    %dma_wait3A_153 = arith.constant 0 : i32
    %dma_wait3A_154 = tpu.memref_slice %arg8[%dma_wait3A_149, %dma_wait3A_153] : memref<4x64xi32, #tpu.memory_space<vmem>> -> memref<1x64xi32, #tpu.memory_space<vmem>>
    %dma_wait3A_155 = tpu.memref_squeeze %dma_wait3A_154 : memref<1x64xi32, #tpu.memory_space<vmem>> -> memref<64xi32, #tpu.memory_space<vmem>>
    %dma_wait3A_156 = arith.constant 0 : i32
    %dma_wait3A_157 = arith.constant 0 : i32
    %dma_wait3A_158 = tpu.memref_slice %arg2[%dma_wait3A_156, %dma_wait3A_157] : memref<16384x64xf32, #tpu.memory_space<hbm>> -> memref<16384x64xf32, #tpu.memory_space<hbm>>
    tpu.wait_indirect_dma semaphore(%arg17 : memref<!tpu.dma_semaphore, #tpu.memory_space<semaphore_mem>>) src(%dma_wait3A_158 : memref<16384x64xf32, #tpu.memory_space<hbm>>) dst(%dma_wait3A_152 : memref<64x64xf32, #tpu.memory_space<vmem>>)
    %dma_wait3A_159 = arith.constant 0 : i32
    %dma_wait3A_160 = arith.constant 0 : i32
    %dma_wait3A_161 = arith.constant 0 : i32
    %dma_wait3A_162 = tpu.memref_slice %arg12[%dma_wait3A_160, %dma_wait3A_161] : memref<256x64xf32, #tpu.memory_space<vmem>> -> memref<64x64xf32, #tpu.memory_space<vmem>>
    %dma_wait3A_163 = arith.constant 0 : i32
    %dma_wait3A_164 = tpu.memref_slice %arg9[%dma_wait3A_159, %dma_wait3A_163] : memref<4x64xi32, #tpu.memory_space<vmem>> -> memref<1x64xi32, #tpu.memory_space<vmem>>
    %dma_wait3A_165 = tpu.memref_squeeze %dma_wait3A_164 : memref<1x64xi32, #tpu.memory_space<vmem>> -> memref<64xi32, #tpu.memory_space<vmem>>
    %dma_wait3A_166 = arith.constant 0 : i32
    %dma_wait3A_167 = arith.constant 0 : i32
    %dma_wait3A_168 = tpu.memref_slice %arg3[%dma_wait3A_166, %dma_wait3A_167] : memref<16384x64xf32, #tpu.memory_space<hbm>> -> memref<16384x64xf32, #tpu.memory_space<hbm>>
    tpu.wait_indirect_dma semaphore(%arg17 : memref<!tpu.dma_semaphore, #tpu.memory_space<semaphore_mem>>) src(%dma_wait3A_168 : memref<16384x64xf32, #tpu.memory_space<hbm>>) dst(%dma_wait3A_162 : memref<64x64xf32, #tpu.memory_space<vmem>>)
    %dma_wait3A_169 = arith.constant 0 : i32
    %dma_wait3A_170 = arith.constant 0 : i32
    %dma_wait3A_171 = arith.constant 0 : i32
    %dma_wait3A_172 = tpu.memref_slice %arg13[%dma_wait3A_170, %dma_wait3A_171] : memref<256x64xf32, #tpu.memory_space<vmem>> -> memref<64x64xf32, #tpu.memory_space<vmem>>
    %dma_wait3A_173 = arith.constant 0 : i32
    %dma_wait3A_174 = tpu.memref_slice %arg10[%dma_wait3A_169, %dma_wait3A_173] : memref<4x64xi32, #tpu.memory_space<vmem>> -> memref<1x64xi32, #tpu.memory_space<vmem>>
    %dma_wait3A_175 = tpu.memref_squeeze %dma_wait3A_174 : memref<1x64xi32, #tpu.memory_space<vmem>> -> memref<64xi32, #tpu.memory_space<vmem>>
    %dma_wait3A_176 = arith.constant 0 : i32
    %dma_wait3A_177 = arith.constant 0 : i32
    %dma_wait3A_178 = tpu.memref_slice %arg3[%dma_wait3A_176, %dma_wait3A_177] : memref<16384x64xf32, #tpu.memory_space<hbm>> -> memref<16384x64xf32, #tpu.memory_space<hbm>>
    tpu.wait_indirect_dma semaphore(%arg17 : memref<!tpu.dma_semaphore, #tpu.memory_space<semaphore_mem>>) src(%dma_wait3A_178 : memref<16384x64xf32, #tpu.memory_space<hbm>>) dst(%dma_wait3A_172 : memref<64x64xf32, #tpu.memory_space<vmem>>)
    %parallel_loop3A = arith.constant 0 : i32
    %parallel_loop3A_179 = arith.constant 64 : i32
    %parallel_loop3A_180 = arith.constant 1 : i32
    %parallel_loop3A_181 = arith.constant 0.000000e+00 : f32
    %parallel_loop3A_182 = scf.for %parallel_loop3A_292 = %parallel_loop3A to %parallel_loop3A_179 step %parallel_loop3A_180 iter_args(%parallel_loop3A_293 = %parallel_loop3A_181) -> (f32)  : i32 {
      %parallel_loop3A_294 = arith.constant 0.000000e+00 : f32
      %parallel_loop3A_295 = vector.broadcast %parallel_loop3A_294 : f32 to vector<16xf32>
      %parallel_loop3A_296 = arith.index_cast %parallel_loop3A_292 : i32 to index
      %parallel_loop3A_297 = arith.constant 0 : index
      %parallel_loop3A_298 = tpu.vector_load %arg11[%parallel_loop3A_296, %parallel_loop3A_297] {strides = array<i32>} : memref<256x64xf32, #tpu.memory_space<vmem>>, vector<16xf32>,
      %parallel_loop3A_299 = arith.index_cast %parallel_loop3A_292 : i32 to index
      %parallel_loop3A_300 = arith.constant 0 : index
      %parallel_loop3A_301 = tpu.vector_load %arg13[%parallel_loop3A_299, %parallel_loop3A_300] {strides = array<i32>} : memref<256x64xf32, #tpu.memory_space<vmem>>, vector<16xf32>,
      %parallel_loop3A_302 = arith.index_cast %parallel_loop3A_292 : i32 to index
      %parallel_loop3A_303 = arith.constant 0 : index
      %parallel_loop3A_304 = tpu.vector_load %arg12[%parallel_loop3A_302, %parallel_loop3A_303] {strides = array<i32>} : memref<256x64xf32, #tpu.memory_space<vmem>>, vector<16xf32>,
      %parallel_loop3A_305 = arith.subf %parallel_loop3A_301, %parallel_loop3A_304 : vector<16xf32>
      %parallel_loop3A_306 = arith.mulf %parallel_loop3A_298, %parallel_loop3A_305 : vector<16xf32>
      %parallel_loop3A_307 = arith.addf %parallel_loop3A_295, %parallel_loop3A_306 : vector<16xf32>
      %parallel_loop3A_308 = arith.index_cast %parallel_loop3A_292 : i32 to index
      %parallel_loop3A_309 = arith.constant 16 : index
      %parallel_loop3A_310 = tpu.vector_load %arg11[%parallel_loop3A_308, %parallel_loop3A_309] {strides = array<i32>} : memref<256x64xf32, #tpu.memory_space<vmem>>, vector<16xf32>,
      %parallel_loop3A_311 = arith.index_cast %parallel_loop3A_292 : i32 to index
      %parallel_loop3A_312 = arith.constant 16 : index
      %parallel_loop3A_313 = tpu.vector_load %arg13[%parallel_loop3A_311, %parallel_loop3A_312] {strides = array<i32>} : memref<256x64xf32, #tpu.memory_space<vmem>>, vector<16xf32>,
      %parallel_loop3A_314 = arith.index_cast %parallel_loop3A_292 : i32 to index
      %parallel_loop3A_315 = arith.constant 16 : index
      %parallel_loop3A_316 = tpu.vector_load %arg12[%parallel_loop3A_314, %parallel_loop3A_315] {strides = array<i32>} : memref<256x64xf32, #tpu.memory_space<vmem>>, vector<16xf32>,
      %parallel_loop3A_317 = arith.subf %parallel_loop3A_313, %parallel_loop3A_316 : vector<16xf32>
      %parallel_loop3A_318 = arith.mulf %parallel_loop3A_310, %parallel_loop3A_317 : vector<16xf32>
      %parallel_loop3A_319 = arith.addf %parallel_loop3A_307, %parallel_loop3A_318 : vector<16xf32>
      %parallel_loop3A_320 = arith.index_cast %parallel_loop3A_292 : i32 to index
      %parallel_loop3A_321 = arith.constant 32 : index
      %parallel_loop3A_322 = tpu.vector_load %arg11[%parallel_loop3A_320, %parallel_loop3A_321] {strides = array<i32>} : memref<256x64xf32, #tpu.memory_space<vmem>>, vector<16xf32>,
      %parallel_loop3A_323 = arith.index_cast %parallel_loop3A_292 : i32 to index
      %parallel_loop3A_324 = arith.constant 32 : index
      %parallel_loop3A_325 = tpu.vector_load %arg13[%parallel_loop3A_323, %parallel_loop3A_324] {strides = array<i32>} : memref<256x64xf32, #tpu.memory_space<vmem>>, vector<16xf32>,
      %parallel_loop3A_326 = arith.index_cast %parallel_loop3A_292 : i32 to index
      %parallel_loop3A_327 = arith.constant 32 : index
      %parallel_loop3A_328 = tpu.vector_load %arg12[%parallel_loop3A_326, %parallel_loop3A_327] {strides = array<i32>} : memref<256x64xf32, #tpu.memory_space<vmem>>, vector<16xf32>,
      %parallel_loop3A_329 = arith.subf %parallel_loop3A_325, %parallel_loop3A_328 : vector<16xf32>
      %parallel_loop3A_330 = arith.mulf %parallel_loop3A_322, %parallel_loop3A_329 : vector<16xf32>
      %parallel_loop3A_331 = arith.addf %parallel_loop3A_319, %parallel_loop3A_330 : vector<16xf32>
      %parallel_loop3A_332 = arith.index_cast %parallel_loop3A_292 : i32 to index
      %parallel_loop3A_333 = arith.constant 48 : index
      %parallel_loop3A_334 = tpu.vector_load %arg11[%parallel_loop3A_332, %parallel_loop3A_333] {strides = array<i32>} : memref<256x64xf32, #tpu.memory_space<vmem>>, vector<16xf32>,
      %parallel_loop3A_335 = arith.index_cast %parallel_loop3A_292 : i32 to index
      %parallel_loop3A_336 = arith.constant 48 : index
      %parallel_loop3A_337 = tpu.vector_load %arg13[%parallel_loop3A_335, %parallel_loop3A_336] {strides = array<i32>} : memref<256x64xf32, #tpu.memory_space<vmem>>, vector<16xf32>,
      %parallel_loop3A_338 = arith.index_cast %parallel_loop3A_292 : i32 to index
      %parallel_loop3A_339 = arith.constant 48 : index
      %parallel_loop3A_340 = tpu.vector_load %arg12[%parallel_loop3A_338, %parallel_loop3A_339] {strides = array<i32>} : memref<256x64xf32, #tpu.memory_space<vmem>>, vector<16xf32>,
      %parallel_loop3A_341 = arith.subf %parallel_loop3A_337, %parallel_loop3A_340 : vector<16xf32>
      %parallel_loop3A_342 = arith.mulf %parallel_loop3A_334, %parallel_loop3A_341 : vector<16xf32>
      %parallel_loop3A_343 = arith.addf %parallel_loop3A_331, %parallel_loop3A_342 : vector<16xf32>
      %parallel_loop3A_344 = arith.constant true
      %parallel_loop3A_345 = vector.broadcast %parallel_loop3A_344 : i1 to vector<16xi1>
      %parallel_loop3A_346 = tpu.scan <sum>, %parallel_loop3A_343 masked %parallel_loop3A_345 : vector<16xf32>, vector<16xi1> -> vector<16xf32>
      %parallel_loop3A_347 = vector.extract %parallel_loop3A_346[15] : f32 from vector<16xf32>
      %parallel_loop3A_348 = arith.constant 2.000000e-01 : f32
      %parallel_loop3A_349 = arith.addf %parallel_loop3A_347, %parallel_loop3A_348 : f32
      %parallel_loop3A_350 = arith.constant 0.000000e+00 : f32
      %parallel_loop3A_351 = arith.maximumf %parallel_loop3A_349, %parallel_loop3A_350 : f32
      %parallel_loop3A_352 = arith.addf %parallel_loop3A_293, %parallel_loop3A_351 : f32
      scf.yield %parallel_loop3A_352 : f32
    } {sc.loop_unroll_factor = 8 : i64, sc.parallel_access}
    %dma_wait3A_183 = arith.constant 1 : i32
    %dma_wait3A_184 = arith.constant 64 : i32
    %dma_wait3A_185 = arith.constant 0 : i32
    %dma_wait3A_186 = tpu.memref_slice %arg11[%dma_wait3A_184, %dma_wait3A_185] : memref<256x64xf32, #tpu.memory_space<vmem>> -> memref<64x64xf32, #tpu.memory_space<vmem>>
    %dma_wait3A_187 = arith.constant 0 : i32
    %dma_wait3A_188 = tpu.memref_slice %arg8[%dma_wait3A_183, %dma_wait3A_187] : memref<4x64xi32, #tpu.memory_space<vmem>> -> memref<1x64xi32, #tpu.memory_space<vmem>>
    %dma_wait3A_189 = tpu.memref_squeeze %dma_wait3A_188 : memref<1x64xi32, #tpu.memory_space<vmem>> -> memref<64xi32, #tpu.memory_space<vmem>>
    %dma_wait3A_190 = arith.constant 0 : i32
    %dma_wait3A_191 = arith.constant 0 : i32
    %dma_wait3A_192 = tpu.memref_slice %arg2[%dma_wait3A_190, %dma_wait3A_191] : memref<16384x64xf32, #tpu.memory_space<hbm>> -> memref<16384x64xf32, #tpu.memory_space<hbm>>
    tpu.wait_indirect_dma semaphore(%arg17 : memref<!tpu.dma_semaphore, #tpu.memory_space<semaphore_mem>>) src(%dma_wait3A_192 : memref<16384x64xf32, #tpu.memory_space<hbm>>) dst(%dma_wait3A_186 : memref<64x64xf32, #tpu.memory_space<vmem>>)
    %dma_wait3A_193 = arith.constant 1 : i32
    %dma_wait3A_194 = arith.constant 64 : i32
    %dma_wait3A_195 = arith.constant 0 : i32
    %dma_wait3A_196 = tpu.memref_slice %arg12[%dma_wait3A_194, %dma_wait3A_195] : memref<256x64xf32, #tpu.memory_space<vmem>> -> memref<64x64xf32, #tpu.memory_space<vmem>>
    %dma_wait3A_197 = arith.constant 0 : i32
    %dma_wait3A_198 = tpu.memref_slice %arg9[%dma_wait3A_193, %dma_wait3A_197] : memref<4x64xi32, #tpu.memory_space<vmem>> -> memref<1x64xi32, #tpu.memory_space<vmem>>
    %dma_wait3A_199 = tpu.memref_squeeze %dma_wait3A_198 : memref<1x64xi32, #tpu.memory_space<vmem>> -> memref<64xi32, #tpu.memory_space<vmem>>
    %dma_wait3A_200 = arith.constant 0 : i32
    %dma_wait3A_201 = arith.constant 0 : i32
    %dma_wait3A_202 = tpu.memref_slice %arg3[%dma_wait3A_200, %dma_wait3A_201] : memref<16384x64xf32, #tpu.memory_space<hbm>> -> memref<16384x64xf32, #tpu.memory_space<hbm>>
    tpu.wait_indirect_dma semaphore(%arg17 : memref<!tpu.dma_semaphore, #tpu.memory_space<semaphore_mem>>) src(%dma_wait3A_202 : memref<16384x64xf32, #tpu.memory_space<hbm>>) dst(%dma_wait3A_196 : memref<64x64xf32, #tpu.memory_space<vmem>>)
    %dma_wait3A_203 = arith.constant 1 : i32
    %dma_wait3A_204 = arith.constant 64 : i32
    %dma_wait3A_205 = arith.constant 0 : i32
    %dma_wait3A_206 = tpu.memref_slice %arg13[%dma_wait3A_204, %dma_wait3A_205] : memref<256x64xf32, #tpu.memory_space<vmem>> -> memref<64x64xf32, #tpu.memory_space<vmem>>
    %dma_wait3A_207 = arith.constant 0 : i32
    %dma_wait3A_208 = tpu.memref_slice %arg10[%dma_wait3A_203, %dma_wait3A_207] : memref<4x64xi32, #tpu.memory_space<vmem>> -> memref<1x64xi32, #tpu.memory_space<vmem>>
    %dma_wait3A_209 = tpu.memref_squeeze %dma_wait3A_208 : memref<1x64xi32, #tpu.memory_space<vmem>> -> memref<64xi32, #tpu.memory_space<vmem>>
    %dma_wait3A_210 = arith.constant 0 : i32
    %dma_wait3A_211 = arith.constant 0 : i32
    %dma_wait3A_212 = tpu.memref_slice %arg3[%dma_wait3A_210, %dma_wait3A_211] : memref<16384x64xf32, #tpu.memory_space<hbm>> -> memref<16384x64xf32, #tpu.memory_space<hbm>>
    tpu.wait_indirect_dma semaphore(%arg17 : memref<!tpu.dma_semaphore, #tpu.memory_space<semaphore_mem>>) src(%dma_wait3A_212 : memref<16384x64xf32, #tpu.memory_space<hbm>>) dst(%dma_wait3A_206 : memref<64x64xf32, #tpu.memory_space<vmem>>)
    %parallel_loop3A_213 = arith.constant 64 : i32
    %parallel_loop3A_214 = arith.constant 128 : i32
    %parallel_loop3A_215 = arith.constant 1 : i32
    %parallel_loop3A_216 = scf.for %parallel_loop3A_292 = %parallel_loop3A_213 to %parallel_loop3A_214 step %parallel_loop3A_215 iter_args(%parallel_loop3A_293 = %parallel_loop3A_182) -> (f32)  : i32 {
      %parallel_loop3A_294 = arith.constant 0.000000e+00 : f32
      %parallel_loop3A_295 = vector.broadcast %parallel_loop3A_294 : f32 to vector<16xf32>
      %parallel_loop3A_296 = arith.index_cast %parallel_loop3A_292 : i32 to index
      %parallel_loop3A_297 = arith.constant 0 : index
      %parallel_loop3A_298 = tpu.vector_load %arg11[%parallel_loop3A_296, %parallel_loop3A_297] {strides = array<i32>} : memref<256x64xf32, #tpu.memory_space<vmem>>, vector<16xf32>,
      %parallel_loop3A_299 = arith.index_cast %parallel_loop3A_292 : i32 to index
      %parallel_loop3A_300 = arith.constant 0 : index
      %parallel_loop3A_301 = tpu.vector_load %arg13[%parallel_loop3A_299, %parallel_loop3A_300] {strides = array<i32>} : memref<256x64xf32, #tpu.memory_space<vmem>>, vector<16xf32>,
      %parallel_loop3A_302 = arith.index_cast %parallel_loop3A_292 : i32 to index
      %parallel_loop3A_303 = arith.constant 0 : index
      %parallel_loop3A_304 = tpu.vector_load %arg12[%parallel_loop3A_302, %parallel_loop3A_303] {strides = array<i32>} : memref<256x64xf32, #tpu.memory_space<vmem>>, vector<16xf32>,
      %parallel_loop3A_305 = arith.subf %parallel_loop3A_301, %parallel_loop3A_304 : vector<16xf32>
      %parallel_loop3A_306 = arith.mulf %parallel_loop3A_298, %parallel_loop3A_305 : vector<16xf32>
      %parallel_loop3A_307 = arith.addf %parallel_loop3A_295, %parallel_loop3A_306 : vector<16xf32>
      %parallel_loop3A_308 = arith.index_cast %parallel_loop3A_292 : i32 to index
      %parallel_loop3A_309 = arith.constant 16 : index
      %parallel_loop3A_310 = tpu.vector_load %arg11[%parallel_loop3A_308, %parallel_loop3A_309] {strides = array<i32>} : memref<256x64xf32, #tpu.memory_space<vmem>>, vector<16xf32>,
      %parallel_loop3A_311 = arith.index_cast %parallel_loop3A_292 : i32 to index
      %parallel_loop3A_312 = arith.constant 16 : index
      %parallel_loop3A_313 = tpu.vector_load %arg13[%parallel_loop3A_311, %parallel_loop3A_312] {strides = array<i32>} : memref<256x64xf32, #tpu.memory_space<vmem>>, vector<16xf32>,
      %parallel_loop3A_314 = arith.index_cast %parallel_loop3A_292 : i32 to index
      %parallel_loop3A_315 = arith.constant 16 : index
      %parallel_loop3A_316 = tpu.vector_load %arg12[%parallel_loop3A_314, %parallel_loop3A_315] {strides = array<i32>} : memref<256x64xf32, #tpu.memory_space<vmem>>, vector<16xf32>,
      %parallel_loop3A_317 = arith.subf %parallel_loop3A_313, %parallel_loop3A_316 : vector<16xf32>
      %parallel_loop3A_318 = arith.mulf %parallel_loop3A_310, %parallel_loop3A_317 : vector<16xf32>
      %parallel_loop3A_319 = arith.addf %parallel_loop3A_307, %parallel_loop3A_318 : vector<16xf32>
      %parallel_loop3A_320 = arith.index_cast %parallel_loop3A_292 : i32 to index
      %parallel_loop3A_321 = arith.constant 32 : index
      %parallel_loop3A_322 = tpu.vector_load %arg11[%parallel_loop3A_320, %parallel_loop3A_321] {strides = array<i32>} : memref<256x64xf32, #tpu.memory_space<vmem>>, vector<16xf32>,
      %parallel_loop3A_323 = arith.index_cast %parallel_loop3A_292 : i32 to index
      %parallel_loop3A_324 = arith.constant 32 : index
      %parallel_loop3A_325 = tpu.vector_load %arg13[%parallel_loop3A_323, %parallel_loop3A_324] {strides = array<i32>} : memref<256x64xf32, #tpu.memory_space<vmem>>, vector<16xf32>,
      %parallel_loop3A_326 = arith.index_cast %parallel_loop3A_292 : i32 to index
      %parallel_loop3A_327 = arith.constant 32 : index
      %parallel_loop3A_328 = tpu.vector_load %arg12[%parallel_loop3A_326, %parallel_loop3A_327] {strides = array<i32>} : memref<256x64xf32, #tpu.memory_space<vmem>>, vector<16xf32>,
      %parallel_loop3A_329 = arith.subf %parallel_loop3A_325, %parallel_loop3A_328 : vector<16xf32>
      %parallel_loop3A_330 = arith.mulf %parallel_loop3A_322, %parallel_loop3A_329 : vector<16xf32>
      %parallel_loop3A_331 = arith.addf %parallel_loop3A_319, %parallel_loop3A_330 : vector<16xf32>
      %parallel_loop3A_332 = arith.index_cast %parallel_loop3A_292 : i32 to index
      %parallel_loop3A_333 = arith.constant 48 : index
      %parallel_loop3A_334 = tpu.vector_load %arg11[%parallel_loop3A_332, %parallel_loop3A_333] {strides = array<i32>} : memref<256x64xf32, #tpu.memory_space<vmem>>, vector<16xf32>,
      %parallel_loop3A_335 = arith.index_cast %parallel_loop3A_292 : i32 to index
      %parallel_loop3A_336 = arith.constant 48 : index
      %parallel_loop3A_337 = tpu.vector_load %arg13[%parallel_loop3A_335, %parallel_loop3A_336] {strides = array<i32>} : memref<256x64xf32, #tpu.memory_space<vmem>>, vector<16xf32>,
      %parallel_loop3A_338 = arith.index_cast %parallel_loop3A_292 : i32 to index
      %parallel_loop3A_339 = arith.constant 48 : index
      %parallel_loop3A_340 = tpu.vector_load %arg12[%parallel_loop3A_338, %parallel_loop3A_339] {strides = array<i32>} : memref<256x64xf32, #tpu.memory_space<vmem>>, vector<16xf32>,
      %parallel_loop3A_341 = arith.subf %parallel_loop3A_337, %parallel_loop3A_340 : vector<16xf32>
      %parallel_loop3A_342 = arith.mulf %parallel_loop3A_334, %parallel_loop3A_341 : vector<16xf32>
      %parallel_loop3A_343 = arith.addf %parallel_loop3A_331, %parallel_loop3A_342 : vector<16xf32>
      %parallel_loop3A_344 = arith.constant true
      %parallel_loop3A_345 = vector.broadcast %parallel_loop3A_344 : i1 to vector<16xi1>
      %parallel_loop3A_346 = tpu.scan <sum>, %parallel_loop3A_343 masked %parallel_loop3A_345 : vector<16xf32>, vector<16xi1> -> vector<16xf32>
      %parallel_loop3A_347 = vector.extract %parallel_loop3A_346[15] : f32 from vector<16xf32>
      %parallel_loop3A_348 = arith.constant 2.000000e-01 : f32
      %parallel_loop3A_349 = arith.addf %parallel_loop3A_347, %parallel_loop3A_348 : f32
      %parallel_loop3A_350 = arith.constant 0.000000e+00 : f32
      %parallel_loop3A_351 = arith.maximumf %parallel_loop3A_349, %parallel_loop3A_350 : f32
      %parallel_loop3A_352 = arith.addf %parallel_loop3A_293, %parallel_loop3A_351 : f32
      scf.yield %parallel_loop3A_352 : f32
    } {sc.loop_unroll_factor = 8 : i64, sc.parallel_access}
    %dma_wait3A_217 = arith.constant 2 : i32
    %dma_wait3A_218 = arith.constant 128 : i32
    %dma_wait3A_219 = arith.constant 0 : i32
    %dma_wait3A_220 = tpu.memref_slice %arg11[%dma_wait3A_218, %dma_wait3A_219] : memref<256x64xf32, #tpu.memory_space<vmem>> -> memref<64x64xf32, #tpu.memory_space<vmem>>
    %dma_wait3A_221 = arith.constant 0 : i32
    %dma_wait3A_222 = tpu.memref_slice %arg8[%dma_wait3A_217, %dma_wait3A_221] : memref<4x64xi32, #tpu.memory_space<vmem>> -> memref<1x64xi32, #tpu.memory_space<vmem>>
    %dma_wait3A_223 = tpu.memref_squeeze %dma_wait3A_222 : memref<1x64xi32, #tpu.memory_space<vmem>> -> memref<64xi32, #tpu.memory_space<vmem>>
    %dma_wait3A_224 = arith.constant 0 : i32
    %dma_wait3A_225 = arith.constant 0 : i32
    %dma_wait3A_226 = tpu.memref_slice %arg2[%dma_wait3A_224, %dma_wait3A_225] : memref<16384x64xf32, #tpu.memory_space<hbm>> -> memref<16384x64xf32, #tpu.memory_space<hbm>>
    tpu.wait_indirect_dma semaphore(%arg17 : memref<!tpu.dma_semaphore, #tpu.memory_space<semaphore_mem>>) src(%dma_wait3A_226 : memref<16384x64xf32, #tpu.memory_space<hbm>>) dst(%dma_wait3A_220 : memref<64x64xf32, #tpu.memory_space<vmem>>)
    %dma_wait3A_227 = arith.constant 2 : i32
    %dma_wait3A_228 = arith.constant 128 : i32
    %dma_wait3A_229 = arith.constant 0 : i32
    %dma_wait3A_230 = tpu.memref_slice %arg12[%dma_wait3A_228, %dma_wait3A_229] : memref<256x64xf32, #tpu.memory_space<vmem>> -> memref<64x64xf32, #tpu.memory_space<vmem>>
    %dma_wait3A_231 = arith.constant 0 : i32
    %dma_wait3A_232 = tpu.memref_slice %arg9[%dma_wait3A_227, %dma_wait3A_231] : memref<4x64xi32, #tpu.memory_space<vmem>> -> memref<1x64xi32, #tpu.memory_space<vmem>>
    %dma_wait3A_233 = tpu.memref_squeeze %dma_wait3A_232 : memref<1x64xi32, #tpu.memory_space<vmem>> -> memref<64xi32, #tpu.memory_space<vmem>>
    %dma_wait3A_234 = arith.constant 0 : i32
    %dma_wait3A_235 = arith.constant 0 : i32
    %dma_wait3A_236 = tpu.memref_slice %arg3[%dma_wait3A_234, %dma_wait3A_235] : memref<16384x64xf32, #tpu.memory_space<hbm>> -> memref<16384x64xf32, #tpu.memory_space<hbm>>
    tpu.wait_indirect_dma semaphore(%arg17 : memref<!tpu.dma_semaphore, #tpu.memory_space<semaphore_mem>>) src(%dma_wait3A_236 : memref<16384x64xf32, #tpu.memory_space<hbm>>) dst(%dma_wait3A_230 : memref<64x64xf32, #tpu.memory_space<vmem>>)
    %dma_wait3A_237 = arith.constant 2 : i32
    %dma_wait3A_238 = arith.constant 128 : i32
    %dma_wait3A_239 = arith.constant 0 : i32
    %dma_wait3A_240 = tpu.memref_slice %arg13[%dma_wait3A_238, %dma_wait3A_239] : memref<256x64xf32, #tpu.memory_space<vmem>> -> memref<64x64xf32, #tpu.memory_space<vmem>>
    %dma_wait3A_241 = arith.constant 0 : i32
    %dma_wait3A_242 = tpu.memref_slice %arg10[%dma_wait3A_237, %dma_wait3A_241] : memref<4x64xi32, #tpu.memory_space<vmem>> -> memref<1x64xi32, #tpu.memory_space<vmem>>
    %dma_wait3A_243 = tpu.memref_squeeze %dma_wait3A_242 : memref<1x64xi32, #tpu.memory_space<vmem>> -> memref<64xi32, #tpu.memory_space<vmem>>
    %dma_wait3A_244 = arith.constant 0 : i32
    %dma_wait3A_245 = arith.constant 0 : i32
    %dma_wait3A_246 = tpu.memref_slice %arg3[%dma_wait3A_244, %dma_wait3A_245] : memref<16384x64xf32, #tpu.memory_space<hbm>> -> memref<16384x64xf32, #tpu.memory_space<hbm>>
    tpu.wait_indirect_dma semaphore(%arg17 : memref<!tpu.dma_semaphore, #tpu.memory_space<semaphore_mem>>) src(%dma_wait3A_246 : memref<16384x64xf32, #tpu.memory_space<hbm>>) dst(%dma_wait3A_240 : memref<64x64xf32, #tpu.memory_space<vmem>>)
    %parallel_loop3A_247 = arith.constant 128 : i32
    %parallel_loop3A_248 = arith.constant 192 : i32
    %parallel_loop3A_249 = arith.constant 1 : i32
    %parallel_loop3A_250 = scf.for %parallel_loop3A_292 = %parallel_loop3A_247 to %parallel_loop3A_248 step %parallel_loop3A_249 iter_args(%parallel_loop3A_293 = %parallel_loop3A_216) -> (f32)  : i32 {
      %parallel_loop3A_294 = arith.constant 0.000000e+00 : f32
      %parallel_loop3A_295 = vector.broadcast %parallel_loop3A_294 : f32 to vector<16xf32>
      %parallel_loop3A_296 = arith.index_cast %parallel_loop3A_292 : i32 to index
      %parallel_loop3A_297 = arith.constant 0 : index
      %parallel_loop3A_298 = tpu.vector_load %arg11[%parallel_loop3A_296, %parallel_loop3A_297] {strides = array<i32>} : memref<256x64xf32, #tpu.memory_space<vmem>>, vector<16xf32>,
      %parallel_loop3A_299 = arith.index_cast %parallel_loop3A_292 : i32 to index
      %parallel_loop3A_300 = arith.constant 0 : index
      %parallel_loop3A_301 = tpu.vector_load %arg13[%parallel_loop3A_299, %parallel_loop3A_300] {strides = array<i32>} : memref<256x64xf32, #tpu.memory_space<vmem>>, vector<16xf32>,
      %parallel_loop3A_302 = arith.index_cast %parallel_loop3A_292 : i32 to index
      %parallel_loop3A_303 = arith.constant 0 : index
      %parallel_loop3A_304 = tpu.vector_load %arg12[%parallel_loop3A_302, %parallel_loop3A_303] {strides = array<i32>} : memref<256x64xf32, #tpu.memory_space<vmem>>, vector<16xf32>,
      %parallel_loop3A_305 = arith.subf %parallel_loop3A_301, %parallel_loop3A_304 : vector<16xf32>
      %parallel_loop3A_306 = arith.mulf %parallel_loop3A_298, %parallel_loop3A_305 : vector<16xf32>
      %parallel_loop3A_307 = arith.addf %parallel_loop3A_295, %parallel_loop3A_306 : vector<16xf32>
      %parallel_loop3A_308 = arith.index_cast %parallel_loop3A_292 : i32 to index
      %parallel_loop3A_309 = arith.constant 16 : index
      %parallel_loop3A_310 = tpu.vector_load %arg11[%parallel_loop3A_308, %parallel_loop3A_309] {strides = array<i32>} : memref<256x64xf32, #tpu.memory_space<vmem>>, vector<16xf32>,
      %parallel_loop3A_311 = arith.index_cast %parallel_loop3A_292 : i32 to index
      %parallel_loop3A_312 = arith.constant 16 : index
      %parallel_loop3A_313 = tpu.vector_load %arg13[%parallel_loop3A_311, %parallel_loop3A_312] {strides = array<i32>} : memref<256x64xf32, #tpu.memory_space<vmem>>, vector<16xf32>,
      %parallel_loop3A_314 = arith.index_cast %parallel_loop3A_292 : i32 to index
      %parallel_loop3A_315 = arith.constant 16 : index
      %parallel_loop3A_316 = tpu.vector_load %arg12[%parallel_loop3A_314, %parallel_loop3A_315] {strides = array<i32>} : memref<256x64xf32, #tpu.memory_space<vmem>>, vector<16xf32>,
      %parallel_loop3A_317 = arith.subf %parallel_loop3A_313, %parallel_loop3A_316 : vector<16xf32>
      %parallel_loop3A_318 = arith.mulf %parallel_loop3A_310, %parallel_loop3A_317 : vector<16xf32>
      %parallel_loop3A_319 = arith.addf %parallel_loop3A_307, %parallel_loop3A_318 : vector<16xf32>
      %parallel_loop3A_320 = arith.index_cast %parallel_loop3A_292 : i32 to index
      %parallel_loop3A_321 = arith.constant 32 : index
      %parallel_loop3A_322 = tpu.vector_load %arg11[%parallel_loop3A_320, %parallel_loop3A_321] {strides = array<i32>} : memref<256x64xf32, #tpu.memory_space<vmem>>, vector<16xf32>,
      %parallel_loop3A_323 = arith.index_cast %parallel_loop3A_292 : i32 to index
      %parallel_loop3A_324 = arith.constant 32 : index
      %parallel_loop3A_325 = tpu.vector_load %arg13[%parallel_loop3A_323, %parallel_loop3A_324] {strides = array<i32>} : memref<256x64xf32, #tpu.memory_space<vmem>>, vector<16xf32>,
      %parallel_loop3A_326 = arith.index_cast %parallel_loop3A_292 : i32 to index
      %parallel_loop3A_327 = arith.constant 32 : index
      %parallel_loop3A_328 = tpu.vector_load %arg12[%parallel_loop3A_326, %parallel_loop3A_327] {strides = array<i32>} : memref<256x64xf32, #tpu.memory_space<vmem>>, vector<16xf32>,
      %parallel_loop3A_329 = arith.subf %parallel_loop3A_325, %parallel_loop3A_328 : vector<16xf32>
      %parallel_loop3A_330 = arith.mulf %parallel_loop3A_322, %parallel_loop3A_329 : vector<16xf32>
      %parallel_loop3A_331 = arith.addf %parallel_loop3A_319, %parallel_loop3A_330 : vector<16xf32>
      %parallel_loop3A_332 = arith.index_cast %parallel_loop3A_292 : i32 to index
      %parallel_loop3A_333 = arith.constant 48 : index
      %parallel_loop3A_334 = tpu.vector_load %arg11[%parallel_loop3A_332, %parallel_loop3A_333] {strides = array<i32>} : memref<256x64xf32, #tpu.memory_space<vmem>>, vector<16xf32>,
      %parallel_loop3A_335 = arith.index_cast %parallel_loop3A_292 : i32 to index
      %parallel_loop3A_336 = arith.constant 48 : index
      %parallel_loop3A_337 = tpu.vector_load %arg13[%parallel_loop3A_335, %parallel_loop3A_336] {strides = array<i32>} : memref<256x64xf32, #tpu.memory_space<vmem>>, vector<16xf32>,
      %parallel_loop3A_338 = arith.index_cast %parallel_loop3A_292 : i32 to index
      %parallel_loop3A_339 = arith.constant 48 : index
      %parallel_loop3A_340 = tpu.vector_load %arg12[%parallel_loop3A_338, %parallel_loop3A_339] {strides = array<i32>} : memref<256x64xf32, #tpu.memory_space<vmem>>, vector<16xf32>,
      %parallel_loop3A_341 = arith.subf %parallel_loop3A_337, %parallel_loop3A_340 : vector<16xf32>
      %parallel_loop3A_342 = arith.mulf %parallel_loop3A_334, %parallel_loop3A_341 : vector<16xf32>
      %parallel_loop3A_343 = arith.addf %parallel_loop3A_331, %parallel_loop3A_342 : vector<16xf32>
      %parallel_loop3A_344 = arith.constant true
      %parallel_loop3A_345 = vector.broadcast %parallel_loop3A_344 : i1 to vector<16xi1>
      %parallel_loop3A_346 = tpu.scan <sum>, %parallel_loop3A_343 masked %parallel_loop3A_345 : vector<16xf32>, vector<16xi1> -> vector<16xf32>
      %parallel_loop3A_347 = vector.extract %parallel_loop3A_346[15] : f32 from vector<16xf32>
      %parallel_loop3A_348 = arith.constant 2.000000e-01 : f32
      %parallel_loop3A_349 = arith.addf %parallel_loop3A_347, %parallel_loop3A_348 : f32
      %parallel_loop3A_350 = arith.constant 0.000000e+00 : f32
      %parallel_loop3A_351 = arith.maximumf %parallel_loop3A_349, %parallel_loop3A_350 : f32
      %parallel_loop3A_352 = arith.addf %parallel_loop3A_293, %parallel_loop3A_351 : f32
      scf.yield %parallel_loop3A_352 : f32
    } {sc.loop_unroll_factor = 8 : i64, sc.parallel_access}
    %dma_wait3A_251 = arith.constant 3 : i32
    %dma_wait3A_252 = arith.constant 192 : i32
    %dma_wait3A_253 = arith.constant 0 : i32
    %dma_wait3A_254 = tpu.memref_slice %arg11[%dma_wait3A_252, %dma_wait3A_253] : memref<256x64xf32, #tpu.memory_space<vmem>> -> memref<64x64xf32, #tpu.memory_space<vmem>>
    %dma_wait3A_255 = arith.constant 0 : i32
    %dma_wait3A_256 = tpu.memref_slice %arg8[%dma_wait3A_251, %dma_wait3A_255] : memref<4x64xi32, #tpu.memory_space<vmem>> -> memref<1x64xi32, #tpu.memory_space<vmem>>
    %dma_wait3A_257 = tpu.memref_squeeze %dma_wait3A_256 : memref<1x64xi32, #tpu.memory_space<vmem>> -> memref<64xi32, #tpu.memory_space<vmem>>
    %dma_wait3A_258 = arith.constant 0 : i32
    %dma_wait3A_259 = arith.constant 0 : i32
    %dma_wait3A_260 = tpu.memref_slice %arg2[%dma_wait3A_258, %dma_wait3A_259] : memref<16384x64xf32, #tpu.memory_space<hbm>> -> memref<16384x64xf32, #tpu.memory_space<hbm>>
    tpu.wait_indirect_dma semaphore(%arg17 : memref<!tpu.dma_semaphore, #tpu.memory_space<semaphore_mem>>) src(%dma_wait3A_260 : memref<16384x64xf32, #tpu.memory_space<hbm>>) dst(%dma_wait3A_254 : memref<64x64xf32, #tpu.memory_space<vmem>>)
    %dma_wait3A_261 = arith.constant 3 : i32
    %dma_wait3A_262 = arith.constant 192 : i32
    %dma_wait3A_263 = arith.constant 0 : i32
    %dma_wait3A_264 = tpu.memref_slice %arg12[%dma_wait3A_262, %dma_wait3A_263] : memref<256x64xf32, #tpu.memory_space<vmem>> -> memref<64x64xf32, #tpu.memory_space<vmem>>
    %dma_wait3A_265 = arith.constant 0 : i32
    %dma_wait3A_266 = tpu.memref_slice %arg9[%dma_wait3A_261, %dma_wait3A_265] : memref<4x64xi32, #tpu.memory_space<vmem>> -> memref<1x64xi32, #tpu.memory_space<vmem>>
    %dma_wait3A_267 = tpu.memref_squeeze %dma_wait3A_266 : memref<1x64xi32, #tpu.memory_space<vmem>> -> memref<64xi32, #tpu.memory_space<vmem>>
    %dma_wait3A_268 = arith.constant 0 : i32
    %dma_wait3A_269 = arith.constant 0 : i32
    %dma_wait3A_270 = tpu.memref_slice %arg3[%dma_wait3A_268, %dma_wait3A_269] : memref<16384x64xf32, #tpu.memory_space<hbm>> -> memref<16384x64xf32, #tpu.memory_space<hbm>>
    tpu.wait_indirect_dma semaphore(%arg17 : memref<!tpu.dma_semaphore, #tpu.memory_space<semaphore_mem>>) src(%dma_wait3A_270 : memref<16384x64xf32, #tpu.memory_space<hbm>>) dst(%dma_wait3A_264 : memref<64x64xf32, #tpu.memory_space<vmem>>)
    %dma_wait3A_271 = arith.constant 3 : i32
    %dma_wait3A_272 = arith.constant 192 : i32
    %dma_wait3A_273 = arith.constant 0 : i32
    %dma_wait3A_274 = tpu.memref_slice %arg13[%dma_wait3A_272, %dma_wait3A_273] : memref<256x64xf32, #tpu.memory_space<vmem>> -> memref<64x64xf32, #tpu.memory_space<vmem>>
    %dma_wait3A_275 = arith.constant 0 : i32
    %dma_wait3A_276 = tpu.memref_slice %arg10[%dma_wait3A_271, %dma_wait3A_275] : memref<4x64xi32, #tpu.memory_space<vmem>> -> memref<1x64xi32, #tpu.memory_space<vmem>>
    %dma_wait3A_277 = tpu.memref_squeeze %dma_wait3A_276 : memref<1x64xi32, #tpu.memory_space<vmem>> -> memref<64xi32, #tpu.memory_space<vmem>>
    %dma_wait3A_278 = arith.constant 0 : i32
    %dma_wait3A_279 = arith.constant 0 : i32
    %dma_wait3A_280 = tpu.memref_slice %arg3[%dma_wait3A_278, %dma_wait3A_279] : memref<16384x64xf32, #tpu.memory_space<hbm>> -> memref<16384x64xf32, #tpu.memory_space<hbm>>
    tpu.wait_indirect_dma semaphore(%arg17 : memref<!tpu.dma_semaphore, #tpu.memory_space<semaphore_mem>>) src(%dma_wait3A_280 : memref<16384x64xf32, #tpu.memory_space<hbm>>) dst(%dma_wait3A_274 : memref<64x64xf32, #tpu.memory_space<vmem>>)
    %parallel_loop3A_281 = arith.constant 192 : i32
    %parallel_loop3A_282 = arith.constant 256 : i32
    %parallel_loop3A_283 = arith.constant 1 : i32
    %parallel_loop3A_284 = scf.for %parallel_loop3A_292 = %parallel_loop3A_281 to %parallel_loop3A_282 step %parallel_loop3A_283 iter_args(%parallel_loop3A_293 = %parallel_loop3A_250) -> (f32)  : i32 {
      %parallel_loop3A_294 = arith.constant 0.000000e+00 : f32
      %parallel_loop3A_295 = vector.broadcast %parallel_loop3A_294 : f32 to vector<16xf32>
      %parallel_loop3A_296 = arith.index_cast %parallel_loop3A_292 : i32 to index
      %parallel_loop3A_297 = arith.constant 0 : index
      %parallel_loop3A_298 = tpu.vector_load %arg11[%parallel_loop3A_296, %parallel_loop3A_297] {strides = array<i32>} : memref<256x64xf32, #tpu.memory_space<vmem>>, vector<16xf32>,
      %parallel_loop3A_299 = arith.index_cast %parallel_loop3A_292 : i32 to index
      %parallel_loop3A_300 = arith.constant 0 : index
      %parallel_loop3A_301 = tpu.vector_load %arg13[%parallel_loop3A_299, %parallel_loop3A_300] {strides = array<i32>} : memref<256x64xf32, #tpu.memory_space<vmem>>, vector<16xf32>,
      %parallel_loop3A_302 = arith.index_cast %parallel_loop3A_292 : i32 to index
      %parallel_loop3A_303 = arith.constant 0 : index
      %parallel_loop3A_304 = tpu.vector_load %arg12[%parallel_loop3A_302, %parallel_loop3A_303] {strides = array<i32>} : memref<256x64xf32, #tpu.memory_space<vmem>>, vector<16xf32>,
      %parallel_loop3A_305 = arith.subf %parallel_loop3A_301, %parallel_loop3A_304 : vector<16xf32>
      %parallel_loop3A_306 = arith.mulf %parallel_loop3A_298, %parallel_loop3A_305 : vector<16xf32>
      %parallel_loop3A_307 = arith.addf %parallel_loop3A_295, %parallel_loop3A_306 : vector<16xf32>
      %parallel_loop3A_308 = arith.index_cast %parallel_loop3A_292 : i32 to index
      %parallel_loop3A_309 = arith.constant 16 : index
      %parallel_loop3A_310 = tpu.vector_load %arg11[%parallel_loop3A_308, %parallel_loop3A_309] {strides = array<i32>} : memref<256x64xf32, #tpu.memory_space<vmem>>, vector<16xf32>,
      %parallel_loop3A_311 = arith.index_cast %parallel_loop3A_292 : i32 to index
      %parallel_loop3A_312 = arith.constant 16 : index
      %parallel_loop3A_313 = tpu.vector_load %arg13[%parallel_loop3A_311, %parallel_loop3A_312] {strides = array<i32>} : memref<256x64xf32, #tpu.memory_space<vmem>>, vector<16xf32>,
      %parallel_loop3A_314 = arith.index_cast %parallel_loop3A_292 : i32 to index
      %parallel_loop3A_315 = arith.constant 16 : index
      %parallel_loop3A_316 = tpu.vector_load %arg12[%parallel_loop3A_314, %parallel_loop3A_315] {strides = array<i32>} : memref<256x64xf32, #tpu.memory_space<vmem>>, vector<16xf32>,
      %parallel_loop3A_317 = arith.subf %parallel_loop3A_313, %parallel_loop3A_316 : vector<16xf32>
      %parallel_loop3A_318 = arith.mulf %parallel_loop3A_310, %parallel_loop3A_317 : vector<16xf32>
      %parallel_loop3A_319 = arith.addf %parallel_loop3A_307, %parallel_loop3A_318 : vector<16xf32>
      %parallel_loop3A_320 = arith.index_cast %parallel_loop3A_292 : i32 to index
      %parallel_loop3A_321 = arith.constant 32 : index
      %parallel_loop3A_322 = tpu.vector_load %arg11[%parallel_loop3A_320, %parallel_loop3A_321] {strides = array<i32>} : memref<256x64xf32, #tpu.memory_space<vmem>>, vector<16xf32>,
      %parallel_loop3A_323 = arith.index_cast %parallel_loop3A_292 : i32 to index
      %parallel_loop3A_324 = arith.constant 32 : index
      %parallel_loop3A_325 = tpu.vector_load %arg13[%parallel_loop3A_323, %parallel_loop3A_324] {strides = array<i32>} : memref<256x64xf32, #tpu.memory_space<vmem>>, vector<16xf32>,
      %parallel_loop3A_326 = arith.index_cast %parallel_loop3A_292 : i32 to index
      %parallel_loop3A_327 = arith.constant 32 : index
      %parallel_loop3A_328 = tpu.vector_load %arg12[%parallel_loop3A_326, %parallel_loop3A_327] {strides = array<i32>} : memref<256x64xf32, #tpu.memory_space<vmem>>, vector<16xf32>,
      %parallel_loop3A_329 = arith.subf %parallel_loop3A_325, %parallel_loop3A_328 : vector<16xf32>
      %parallel_loop3A_330 = arith.mulf %parallel_loop3A_322, %parallel_loop3A_329 : vector<16xf32>
      %parallel_loop3A_331 = arith.addf %parallel_loop3A_319, %parallel_loop3A_330 : vector<16xf32>
      %parallel_loop3A_332 = arith.index_cast %parallel_loop3A_292 : i32 to index
      %parallel_loop3A_333 = arith.constant 48 : index
      %parallel_loop3A_334 = tpu.vector_load %arg11[%parallel_loop3A_332, %parallel_loop3A_333] {strides = array<i32>} : memref<256x64xf32, #tpu.memory_space<vmem>>, vector<16xf32>,
      %parallel_loop3A_335 = arith.index_cast %parallel_loop3A_292 : i32 to index
      %parallel_loop3A_336 = arith.constant 48 : index
      %parallel_loop3A_337 = tpu.vector_load %arg13[%parallel_loop3A_335, %parallel_loop3A_336] {strides = array<i32>} : memref<256x64xf32, #tpu.memory_space<vmem>>, vector<16xf32>,
      %parallel_loop3A_338 = arith.index_cast %parallel_loop3A_292 : i32 to index
      %parallel_loop3A_339 = arith.constant 48 : index
      %parallel_loop3A_340 = tpu.vector_load %arg12[%parallel_loop3A_338, %parallel_loop3A_339] {strides = array<i32>} : memref<256x64xf32, #tpu.memory_space<vmem>>, vector<16xf32>,
      %parallel_loop3A_341 = arith.subf %parallel_loop3A_337, %parallel_loop3A_340 : vector<16xf32>
      %parallel_loop3A_342 = arith.mulf %parallel_loop3A_334, %parallel_loop3A_341 : vector<16xf32>
      %parallel_loop3A_343 = arith.addf %parallel_loop3A_331, %parallel_loop3A_342 : vector<16xf32>
      %parallel_loop3A_344 = arith.constant true
      %parallel_loop3A_345 = vector.broadcast %parallel_loop3A_344 : i1 to vector<16xi1>
      %parallel_loop3A_346 = tpu.scan <sum>, %parallel_loop3A_343 masked %parallel_loop3A_345 : vector<16xf32>, vector<16xi1> -> vector<16xf32>
      %parallel_loop3A_347 = vector.extract %parallel_loop3A_346[15] : f32 from vector<16xf32>
      %parallel_loop3A_348 = arith.constant 2.000000e-01 : f32
      %parallel_loop3A_349 = arith.addf %parallel_loop3A_347, %parallel_loop3A_348 : f32
      %parallel_loop3A_350 = arith.constant 0.000000e+00 : f32
      %parallel_loop3A_351 = arith.maximumf %parallel_loop3A_349, %parallel_loop3A_350 : f32
      %parallel_loop3A_352 = arith.addf %parallel_loop3A_293, %parallel_loop3A_351 : f32
      scf.yield %parallel_loop3A_352 : f32
    } {sc.loop_unroll_factor = 8 : i64, sc.parallel_access}
    %iota3A = tpu.iota {dimensions = array<i32: 0>} : vector<16xi32>
    %eq3A = arith.constant 0 : i32
    %eq3A_285 = vector.broadcast %eq3A : i32 to vector<16xi32>
    %eq3A_286 = arith.cmpi eq, %iota3A, %eq3A_285 : vector<16xi32>
    %jit3A = arith.constant 0.000000e+00 : f32
    %broadcast_in_dim3A = vector.broadcast %parallel_loop3A_284 : f32 to vector<16xf32>
    %broadcast_in_dim3A_287 = vector.broadcast %jit3A : f32 to vector<16xf32>
    %select_n3A = arith.select %eq3A_286, %broadcast_in_dim3A, %broadcast_in_dim3A_287 : vector<16xi1>, vector<16xf32>
    %swap3A = arith.constant 0 : index
    %swap3A_288 = tpu.vector_load %arg14[%swap3A] {strides = array<i32>} : memref<16xf32, #tpu.memory_space<vmem>>, vector<16xf32>,
    tpu.vector_store %arg14[%swap3A], %select_n3A {strides = array<i32>} : memref<16xf32, #tpu.memory_space<vmem>>, vector<16xf32>,
    "tpu.region"() ({
      %run_scoped3A = tpu.sem_alloc : memref<!tpu.dma_semaphore, #tpu.memory_space<semaphore_mem>>
      %dma_start3A_292 = arith.constant 0 : i32
      %dma_start3A_293 = tpu.memref_slice %arg15[%arg1, %dma_start3A_292] : memref<16x16xf32, #tpu.memory_space<vmem_shared>> -> memref<1x16xf32, #tpu.memory_space<vmem_shared>>
      %dma_start3A_294 = tpu.memref_squeeze %dma_start3A_293 : memref<1x16xf32, #tpu.memory_space<vmem_shared>> -> memref<16xf32, #tpu.memory_space<vmem_shared>>
      %dma_start3A_295 = arith.constant 0 : i32
      %dma_start3A_296 = tpu.memref_slice %arg15[%arg1, %dma_start3A_295] : memref<16x16xf32, #tpu.memory_space<vmem_shared>> -> memref<1x16xf32, #tpu.memory_space<vmem_shared>>
      %dma_start3A_297 = tpu.memref_squeeze %dma_start3A_296 : memref<1x16xf32, #tpu.memory_space<vmem_shared>> -> memref<16xf32, #tpu.memory_space<vmem_shared>>
      tpu.enqueue_dma source(%arg14 : memref<16xf32, #tpu.memory_space<vmem>>) target(%dma_start3A_297 : memref<16xf32, #tpu.memory_space<vmem_shared>>) target_semaphore(%run_scoped3A : memref<!tpu.dma_semaphore, #tpu.memory_space<semaphore_mem>>)
      %dma_wait3A_298 = arith.constant 0 : i32
      %dma_wait3A_299 = tpu.memref_slice %arg15[%arg1, %dma_wait3A_298] : memref<16x16xf32, #tpu.memory_space<vmem_shared>> -> memref<1x16xf32, #tpu.memory_space<vmem_shared>>
      %dma_wait3A_300 = tpu.memref_squeeze %dma_wait3A_299 : memref<1x16xf32, #tpu.memory_space<vmem_shared>> -> memref<16xf32, #tpu.memory_space<vmem_shared>>
      %dma_wait3A_301 = arith.constant 0 : i32
      %dma_wait3A_302 = tpu.memref_slice %arg15[%arg1, %dma_wait3A_301] : memref<16x16xf32, #tpu.memory_space<vmem_shared>> -> memref<1x16xf32, #tpu.memory_space<vmem_shared>>
      %dma_wait3A_303 = tpu.memref_squeeze %dma_wait3A_302 : memref<1x16xf32, #tpu.memory_space<vmem_shared>> -> memref<16xf32, #tpu.memory_space<vmem_shared>>
      tpu.wait_dma2 semaphore(%run_scoped3A : memref<!tpu.dma_semaphore, #tpu.memory_space<semaphore_mem>>) src(%arg14 : memref<16xf32, #tpu.memory_space<vmem>>) dst(%dma_wait3A_303 : memref<16xf32, #tpu.memory_space<vmem_shared>>)
      tpu.yield
    }) : () -> ()
    %barrier3A = arith.constant 0 : index
    tpu.barrier barrier_id(%barrier3A)
    %eq3A_289 = arith.constant 0 : i32
    %eq3A_290 = arith.cmpi eq, %arg1, %eq3A_289 : i32
    %convert_element_type3A = arith.extui %eq3A_290 : i1 to i32
    %cond3A = arith.constant 0 : i32
    %cond3A_291 = arith.cmpi ne, %convert_element_type3A, %cond3A : i32
    scf.if %cond3A_291 {
      "tpu.region"() ({
        %run_scoped3A = tpu.sem_alloc : memref<!tpu.dma_semaphore, #tpu.memory_space<semaphore_mem>>
        tpu.enqueue_dma source(%arg15 : memref<16x16xf32, #tpu.memory_space<vmem_shared>>) target(%arg16 : memref<16x16xf32, #tpu.memory_space<vmem>>) target_semaphore(%run_scoped3A : memref<!tpu.dma_semaphore, #tpu.memory_space<semaphore_mem>>)
        tpu.wait_dma2 semaphore(%run_scoped3A : memref<!tpu.dma_semaphore, #tpu.memory_space<semaphore_mem>>) src(%arg15 : memref<16x16xf32, #tpu.memory_space<vmem_shared>>) dst(%arg16 : memref<16x16xf32, #tpu.memory_space<vmem>>)
        tpu.yield
      }) : () -> ()
      %broadcast_in_dim3A_292 = arith.constant 0.000000e+00 : f32
      %broadcast_in_dim3A_293 = vector.broadcast %broadcast_in_dim3A_292 : f32 to vector<16xf32>
      %get3A = arith.constant 0 : i32
      %get3A_294 = arith.index_cast %get3A : i32 to index
      %get3A_295 = arith.constant 0 : index
      %get3A_296 = tpu.vector_load %arg16[%get3A_294, %get3A_295] {strides = array<i32>} : memref<16x16xf32, #tpu.memory_space<vmem>>, vector<16xf32>,
      %add3A_297 = arith.addf %broadcast_in_dim3A_293, %get3A_296 : vector<16xf32>
      %get3A_298 = arith.constant 1 : i32
      %get3A_299 = arith.index_cast %get3A_298 : i32 to index
      %get3A_300 = arith.constant 0 : index
      %get3A_301 = tpu.vector_load %arg16[%get3A_299, %get3A_300] {strides = array<i32>} : memref<16x16xf32, #tpu.memory_space<vmem>>, vector<16xf32>,
      %add3A_302 = arith.addf %add3A_297, %get3A_301 : vector<16xf32>
      %get3A_303 = arith.constant 2 : i32
      %get3A_304 = arith.index_cast %get3A_303 : i32 to index
      %get3A_305 = arith.constant 0 : index
      %get3A_306 = tpu.vector_load %arg16[%get3A_304, %get3A_305] {strides = array<i32>} : memref<16x16xf32, #tpu.memory_space<vmem>>, vector<16xf32>,
      %add3A_307 = arith.addf %add3A_302, %get3A_306 : vector<16xf32>
      %get3A_308 = arith.constant 3 : i32
      %get3A_309 = arith.index_cast %get3A_308 : i32 to index
      %get3A_310 = arith.constant 0 : index
      %get3A_311 = tpu.vector_load %arg16[%get3A_309, %get3A_310] {strides = array<i32>} : memref<16x16xf32, #tpu.memory_space<vmem>>, vector<16xf32>,
      %add3A_312 = arith.addf %add3A_307, %get3A_311 : vector<16xf32>
      %get3A_313 = arith.constant 4 : i32
      %get3A_314 = arith.index_cast %get3A_313 : i32 to index
      %get3A_315 = arith.constant 0 : index
      %get3A_316 = tpu.vector_load %arg16[%get3A_314, %get3A_315] {strides = array<i32>} : memref<16x16xf32, #tpu.memory_space<vmem>>, vector<16xf32>,
      %add3A_317 = arith.addf %add3A_312, %get3A_316 : vector<16xf32>
      %get3A_318 = arith.constant 5 : i32
      %get3A_319 = arith.index_cast %get3A_318 : i32 to index
      %get3A_320 = arith.constant 0 : index
      %get3A_321 = tpu.vector_load %arg16[%get3A_319, %get3A_320] {strides = array<i32>} : memref<16x16xf32, #tpu.memory_space<vmem>>, vector<16xf32>,
      %add3A_322 = arith.addf %add3A_317, %get3A_321 : vector<16xf32>
      %get3A_323 = arith.constant 6 : i32
      %get3A_324 = arith.index_cast %get3A_323 : i32 to index
      %get3A_325 = arith.constant 0 : index
      %get3A_326 = tpu.vector_load %arg16[%get3A_324, %get3A_325] {strides = array<i32>} : memref<16x16xf32, #tpu.memory_space<vmem>>, vector<16xf32>,
      %add3A_327 = arith.addf %add3A_322, %get3A_326 : vector<16xf32>
      %get3A_328 = arith.constant 7 : i32
      %get3A_329 = arith.index_cast %get3A_328 : i32 to index
      %get3A_330 = arith.constant 0 : index
      %get3A_331 = tpu.vector_load %arg16[%get3A_329, %get3A_330] {strides = array<i32>} : memref<16x16xf32, #tpu.memory_space<vmem>>, vector<16xf32>,
      %add3A_332 = arith.addf %add3A_327, %get3A_331 : vector<16xf32>
      %get3A_333 = arith.constant 8 : i32
      %get3A_334 = arith.index_cast %get3A_333 : i32 to index
      %get3A_335 = arith.constant 0 : index
      %get3A_336 = tpu.vector_load %arg16[%get3A_334, %get3A_335] {strides = array<i32>} : memref<16x16xf32, #tpu.memory_space<vmem>>, vector<16xf32>,
      %add3A_337 = arith.addf %add3A_332, %get3A_336 : vector<16xf32>
      %get3A_338 = arith.constant 9 : i32
      %get3A_339 = arith.index_cast %get3A_338 : i32 to index
      %get3A_340 = arith.constant 0 : index
      %get3A_341 = tpu.vector_load %arg16[%get3A_339, %get3A_340] {strides = array<i32>} : memref<16x16xf32, #tpu.memory_space<vmem>>, vector<16xf32>,
      %add3A_342 = arith.addf %add3A_337, %get3A_341 : vector<16xf32>
      %get3A_343 = arith.constant 10 : i32
      %get3A_344 = arith.index_cast %get3A_343 : i32 to index
      %get3A_345 = arith.constant 0 : index
      %get3A_346 = tpu.vector_load %arg16[%get3A_344, %get3A_345] {strides = array<i32>} : memref<16x16xf32, #tpu.memory_space<vmem>>, vector<16xf32>,
      %add3A_347 = arith.addf %add3A_342, %get3A_346 : vector<16xf32>
      %get3A_348 = arith.constant 11 : i32
      %get3A_349 = arith.index_cast %get3A_348 : i32 to index
      %get3A_350 = arith.constant 0 : index
      %get3A_351 = tpu.vector_load %arg16[%get3A_349, %get3A_350] {strides = array<i32>} : memref<16x16xf32, #tpu.memory_space<vmem>>, vector<16xf32>,
      %add3A_352 = arith.addf %add3A_347, %get3A_351 : vector<16xf32>
      %get3A_353 = arith.constant 12 : i32
      %get3A_354 = arith.index_cast %get3A_353 : i32 to index
      %get3A_355 = arith.constant 0 : index
      %get3A_356 = tpu.vector_load %arg16[%get3A_354, %get3A_355] {strides = array<i32>} : memref<16x16xf32, #tpu.memory_space<vmem>>, vector<16xf32>,
      %add3A_357 = arith.addf %add3A_352, %get3A_356 : vector<16xf32>
      %get3A_358 = arith.constant 13 : i32
      %get3A_359 = arith.index_cast %get3A_358 : i32 to index
      %get3A_360 = arith.constant 0 : index
      %get3A_361 = tpu.vector_load %arg16[%get3A_359, %get3A_360] {strides = array<i32>} : memref<16x16xf32, #tpu.memory_space<vmem>>, vector<16xf32>,
      %add3A_362 = arith.addf %add3A_357, %get3A_361 : vector<16xf32>
      %get3A_363 = arith.constant 14 : i32
      %get3A_364 = arith.index_cast %get3A_363 : i32 to index
      %get3A_365 = arith.constant 0 : index
      %get3A_366 = tpu.vector_load %arg16[%get3A_364, %get3A_365] {strides = array<i32>} : memref<16x16xf32, #tpu.memory_space<vmem>>, vector<16xf32>,
      %add3A_367 = arith.addf %add3A_362, %get3A_366 : vector<16xf32>
      %get3A_368 = arith.constant 15 : i32
      %get3A_369 = arith.index_cast %get3A_368 : i32 to index
      %get3A_370 = arith.constant 0 : index
      %get3A_371 = tpu.vector_load %arg16[%get3A_369, %get3A_370] {strides = array<i32>} : memref<16x16xf32, #tpu.memory_space<vmem>>, vector<16xf32>,
      %add3A_372 = arith.addf %add3A_367, %get3A_371 : vector<16xf32>
      %reduce_sum3A = arith.constant true
      %reduce_sum3A_373 = vector.broadcast %reduce_sum3A : i1 to vector<16xi1>
      %reduce_sum3A_374 = tpu.scan <sum>, %add3A_372 masked %reduce_sum3A_373 : vector<16xf32>, vector<16xi1> -> vector<16xf32>
      %reduce_sum3A_375 = vector.extract %reduce_sum3A_374[15] : f32 from vector<16xf32>
      %iota3A_376 = tpu.iota {dimensions = array<i32: 0>} : vector<16xi32>
      %eq3A_377 = arith.constant 0 : i32
      %eq3A_378 = vector.broadcast %eq3A_377 : i32 to vector<16xi32>
      %eq3A_379 = arith.cmpi eq, %iota3A_376, %eq3A_378 : vector<16xi32>
      %jit3A_380 = arith.constant 0.000000e+00 : f32
      %broadcast_in_dim3A_381 = vector.broadcast %reduce_sum3A_375 : f32 to vector<16xf32>
      %broadcast_in_dim3A_382 = vector.broadcast %jit3A_380 : f32 to vector<16xf32>
      %select_n3A_383 = arith.select %eq3A_379, %broadcast_in_dim3A_381, %broadcast_in_dim3A_382 : vector<16xi1>, vector<16xf32>
      %swap3A_384 = arith.constant 0 : index
      %swap3A_385 = tpu.vector_load %arg14[%swap3A_384] {strides = array<i32>} : memref<16xf32, #tpu.memory_space<vmem>>, vector<16xf32>,
      tpu.vector_store %arg14[%swap3A_384], %select_n3A_383 {strides = array<i32>} : memref<16xf32, #tpu.memory_space<vmem>>, vector<16xf32>,
      "tpu.region"() ({
        %run_scoped3A = tpu.sem_alloc : memref<!tpu.dma_semaphore, #tpu.memory_space<semaphore_mem>>
        %dma_start3A_386 = arith.constant 0 : i32
        %dma_start3A_387 = tpu.memref_slice %arg7[%arg0, %dma_start3A_386] : memref<2x16xf32, #tpu.memory_space<hbm>> -> memref<1x16xf32, #tpu.memory_space<hbm>>
        %dma_start3A_388 = tpu.memref_squeeze %dma_start3A_387 : memref<1x16xf32, #tpu.memory_space<hbm>> -> memref<16xf32, #tpu.memory_space<hbm>>
        %dma_start3A_389 = arith.constant 0 : i32
        %dma_start3A_390 = tpu.memref_slice %arg7[%arg0, %dma_start3A_389] : memref<2x16xf32, #tpu.memory_space<hbm>> -> memref<1x16xf32, #tpu.memory_space<hbm>>
        %dma_start3A_391 = tpu.memref_squeeze %dma_start3A_390 : memref<1x16xf32, #tpu.memory_space<hbm>> -> memref<16xf32, #tpu.memory_space<hbm>>
        tpu.enqueue_dma source(%arg14 : memref<16xf32, #tpu.memory_space<vmem>>) target(%dma_start3A_391 : memref<16xf32, #tpu.memory_space<hbm>>) target_semaphore(%run_scoped3A : memref<!tpu.dma_semaphore, #tpu.memory_space<semaphore_mem>>)
        %dma_wait3A_392 = arith.constant 0 : i32
        %dma_wait3A_393 = tpu.memref_slice %arg7[%arg0, %dma_wait3A_392] : memref<2x16xf32, #tpu.memory_space<hbm>> -> memref<1x16xf32, #tpu.memory_space<hbm>>
        %dma_wait3A_394 = tpu.memref_squeeze %dma_wait3A_393 : memref<1x16xf32, #tpu.memory_space<hbm>> -> memref<16xf32, #tpu.memory_space<hbm>>
        %dma_wait3A_395 = arith.constant 0 : i32
        %dma_wait3A_396 = tpu.memref_slice %arg7[%arg0, %dma_wait3A_395] : memref<2x16xf32, #tpu.memory_space<hbm>> -> memref<1x16xf32, #tpu.memory_space<hbm>>
        %dma_wait3A_397 = tpu.memref_squeeze %dma_wait3A_396 : memref<1x16xf32, #tpu.memory_space<hbm>> -> memref<16xf32, #tpu.memory_space<hbm>>
        tpu.wait_dma2 semaphore(%run_scoped3A : memref<!tpu.dma_semaphore, #tpu.memory_space<semaphore_mem>>) src(%arg14 : memref<16xf32, #tpu.memory_space<vmem>>) dst(%dma_wait3A_397 : memref<16xf32, #tpu.memory_space<hbm>>)
        tpu.yield
      }) : () -> ()
    } else {
    }
    return
  }
}

</mosaic_0001>

<sc_bundles>
// kernel: kernel.3.cloned.1.call-start
scs
__scs_entry_jumppad:
0x0: {  	(pc) =	sbr.rel $0x88, $3  }
0x1: {  	(tag) =	ssettag $0x0;
	lr =	simm.s32 $0x1  }
0x2: {  	[smem:$0x3F9E] =	sst lr;
	_ =	strace $0xD0000000  }
0x3: {  	_ = 	snop  }
0x4: {  	_ = 	snop  }
0x5: {  	_ = 	snop  }
0x6: {  	_ = 	snop  }
0x7: {  	_ = 	snop  }
__scs_overlays_trampoline_lowered:
0x8: {  	[smem:$0x3FAD] =	sst s0  }
0x9: {  	[smem:$0x3FAE] =	sst s1  }
0xa: {  	[smem:$0x3FAF] =	sst s2  }
0xb: {  	[smem:$0x3FB0] =	sst s3  }
0xc: {  	[smem:$0x3FB1] =	sst s4  }
0xd: {  	[smem:$0x3FB2] =	sst s5  }
0xe: {  	[smem:$0x3FB3] =	sst s6  }
0xf: {  	[smem:$0x3FB4] =	sst s7  }
0x10: {  	[smem:$0x3FB5] =	sst s8  }
0x11: {  	[smem:$0x3FB6] =	sst s9;
	s0 =	simm.s32 @!p0 $0x0  }
0x12: {  	s1 =	sld [smem:$0x3F9C];
	s0 =	simm.s32 @p0 $0x1  }
0x13: {  	[smem:$0x3FB7] =	sst s0;
	s0 =	simm.s32 @!p1 $0x0  }
0x14: {  	s2 =	sld [smem:$0x3F9B];
	s0 =	simm.s32 @p1 $0x1  }
0x15: {  	[smem:$0x3FB8] =	sst s0;
	s0 =	simm.s32 @!p2 $0x0  }
0x16: {  	s3 =	sld [smem:$0x3FDB];
	s0 =	simm.s32 @p2 $0x1  }
0x17: {  	s4 =	simm.s32 $0x1BF5;
	[smem:$0x3FBA] =	sst s0  }
0x18: {  	s0 =	sld [smem:$0x3F9D];
	_ =	swait.ge [sflag:s4], $0x0  }
0x19: {  	s7 =	sld [smem:$0x3F9E]  }
0x1a: {  	s8 =	sadd.s32 $0xFFFFE003, lr  }
0x1b: {  	s9 =	sadd.s32 $0xFFFFFEF7, lr;
	s5 =	simm.s32 $0xFFFFFFFF;
	p2 =	slt.u32 s8, $0xFFFFF086  }
0x1c: {  	p1 =	slt.u32 s9, $0xF7A;
	s5 =	simm.s32 @!p2 $0x0  }
0x1d: {  	s5 =	simm.s32 @p1 $0x1;
	p0 =	seq.s32 s7, s2  }
0x1e: {  	s7 =	smul.u32 @!p0 $0xF7A, s2;
	p2 =	seq.s32 @!p0 s5, $0x0  }
0x1f: {  	s9 =	smul.u32 $0xF7A, s1;
	s8 =	simm.s32 @!p0 $0x1BF5;
	p2 =	por !p2, p0  }
0x20: {  	[sflag:s8] =	ssyncset.s32 @!p0 $0xFFFFF086;
	s6 =	sadd.s32 @!p0 s3, s7;
	s7 =	simm.s32 @!p0 $0x108  }
0x21: {  	s3 =	sadd.s32 s3, s9;
	s6 =	sadd.s32 @!p0 $0x88, s6;
	s7 =	simm.s32 @p2 $0x1082  }
0x22: {  	[simem:s7], [sflag:s8] =	dma.local @!p0 [hbm:s6], $0xF7A  }
0x23: {  	s9 =	sor.u32 $0xD0000000, s2;
	s6 =	simm.s32 $0x108;
	_ =	swait.ge @!p0 [sflag:s8], $0x0  }
0x24: {  	s3 =	sadd.s32 $0x88, s3;
	s6 =	simm.s32 @!p1 $0x1082;
	[sflag:s4] =	ssyncset.s32 $0xFFFFF086  }
0x25: {  	[simem:s6], [sflag:s4] =	dma.local [hbm:s3], $0xF7A  }
0x26: {  	[smem:$0x3F9E] =	sst s1;
	(tag) =	ssettag s2;
	_ =	strace s9  }
0x27: {  	s1 =	sld [smem:$0x3FAE]  }
0x28: {  	s2 =	sld [smem:$0x3FAF]  }
0x29: {  	s4 =	sld [smem:$0x3FB1]  }
0x2a: {  	p0 =	seq.s32 s5, $0x0;
	s5 =	sld [smem:$0x3FB2]  }
0x2b: {  	s6 =	sld [smem:$0x3FB3]  }
0x2c: {  	s7 =	sld [smem:$0x3FB4]  }
0x2d: {  	s3 =	simm.s32 $0x108;
	s8 =	sld [smem:$0x3FB5]  }
0x2e: {  	s3 =	simm.s32 @!p0 $0x1082;
	s9 =	sld [smem:$0x3FB6]  }
0x2f: {  	lr =	sadd.s32 s0, s3;
	s0 =	sld [smem:$0x3FAD]  }
0x30: {  	s3 =	sld [smem:$0x3FB0]  }
0x31: {  	[smem:$0x3FB9] =	sst s10  }
0x32: {  	s10 =	sld [smem:$0x3FB7];
	_ =	sdelay $0x3  }
0x33: {  	p0 =	seq.s32 s10, $0x1;
	s10 =	sld [smem:$0x3FB9];
	_ =	sdelay $0x3  }
0x34: {  	[smem:$0x3FB9] =	sst s10  }
0x35: {  	s10 =	sld [smem:$0x3FB8];
	_ =	sdelay $0x3  }
0x36: {  	p1 =	seq.s32 s10, $0x1;
	s10 =	sld [smem:$0x3FB9];
	_ =	sdelay $0x3  }
0x37: {  	[smem:$0x3FB9] =	sst s10  }
0x38: {  	s10 =	sld [smem:$0x3FBA]  }
0x39: {  	_ = 	snop;
	(pc) =	sbr.ind lr, $3  }
0x3a: {  	_ = 	snop  }
0x3b: {  	_ = 	snop  }
0x3c: {  	p2 =	seq.s32 s10, $0x1;
	s10 =	sld [smem:$0x3FB9]  }
0x3d: {  	_ =	shalt  }
0x3e: {  	_ =	shalt  }
0x3f: {  	_ =	shalt  }
0x40: {  	_ =	shalt  }
0x41: {  	_ =	shalt  }
0x42: {  	_ =	shalt  }
0x43: {  	_ =	shalt  }
0x44: {  	_ =	shalt  }
0x45: {  	_ =	shalt  }
0x46: {  	_ =	shalt  }
0x47: {  	_ =	shalt  }
0x48: {  	_ =	shalt  }
0x49: {  	_ =	shalt  }
0x4a: {  	_ =	shalt  }
0x4b: {  	_ =	shalt  }
0x4c: {  	_ =	shalt  }
0x4d: {  	_ =	shalt  }
0x4e: {  	_ =	shalt  }
0x4f: {  	_ =	shalt  }
0x50: {  	_ =	shalt  }
0x51: {  	_ =	shalt  }
0x52: {  	_ =	shalt  }
0x53: {  	_ =	shalt  }
0x54: {  	_ =	shalt  }
0x55: {  	_ =	shalt  }
0x56: {  	_ =	shalt  }
0x57: {  	_ =	shalt  }
0x58: {  	_ =	shalt  }
0x59: {  	_ =	shalt  }
0x5a: {  	_ =	shalt  }
0x5b: {  	_ =	shalt  }
0x5c: {  	_ =	shalt  }
0x5d: {  	_ =	shalt  }
0x5e: {  	_ =	shalt  }
0x5f: {  	_ =	shalt  }
0x60: {  	_ =	shalt  }
0x61: {  	_ =	shalt  }
0x62: {  	_ =	shalt  }
0x63: {  	_ =	shalt  }
0x64: {  	_ =	shalt  }
0x65: {  	_ =	shalt  }
0x66: {  	_ =	shalt  }
0x67: {  	_ =	shalt  }
0x68: {  	_ =	shalt  }
0x69: {  	_ =	shalt  }
0x6a: {  	_ =	shalt  }
0x6b: {  	_ =	shalt  }
0x6c: {  	_ =	shalt  }
0x6d: {  	_ =	shalt  }
0x6e: {  	_ =	shalt  }
0x6f: {  	_ =	shalt  }
0x70: {  	_ =	shalt  }
0x71: {  	_ =	shalt  }
0x72: {  	_ =	shalt  }
0x73: {  	_ =	shalt  }
0x74: {  	_ =	shalt  }
0x75: {  	_ =	shalt  }
0x76: {  	_ =	shalt  }
0x77: {  	_ =	shalt  }
0x78: {  	_ =	shalt  }
0x79: {  	_ =	shalt  }
0x7a: {  	_ =	shalt  }
0x7b: {  	_ =	shalt  }
0x7c: {  	_ =	shalt  }
0x7d: {  	_ =	shalt  }
0x7e: {  	_ =	shalt  }
0x7f: {  	_ =	shalt  }
0x80: {  	_ =	shalt  }
0x81: {  	_ =	shalt  }
0x82: {  	_ =	shalt  }
0x83: {  	_ =	shalt  }
0x84: {  	_ =	shalt  }
0x85: {  	_ =	shalt  }
0x86: {  	_ =	shalt  }
0x87: {  	_ =	shalt  }
.Lfunc_end0:
.L_simem_size_0:
called_computation_lowered:
.L_overlay_start_0:
0x88: {  	s2 =	sld [smem:$0x3FD9]  }
0x89: {  	s3 =	sld [smem:$0x3FFE];
	_ =	sdelay $0x1  }
0x8a: {  	s1 =	srdreg.scid  }
0x8b: {  	s0 =	sand.u32 $0x1, s1  }
0x8c: {  	s14 =	sshll.u32 s0, $0xA;
	s2 =	sadd.s32 s3, s2  }
0x8d: {  	s2 =	sadd.s32 s2, s14  }
0x8e: {  	[smem:$0x3FC5] =	sst s2  }
0x8f: {  	_ = 	snop  }
0x90: {  	s2 =	sld [smem:$0x3FD0];
	_ =	sdelay $0x2  }
0x91: {  	s15 =	simm.s32 $0xA;
	s4 =	simm.s32 $0x10  }
0x92: {  	[smem:s4], [sflag:s15] =	dma.local [hbm:s2], $0x1  }
0x93: {  	_ =	swait.eq [sflag:s15], $0x1  }
0x94: {  	[sflag:s15] =	ssyncset.done $0x0  }
0x95: {  	[sflag:s15] =	ssyncadd.s32 $0xFFFFFFFF  }
0x96: {  	s16 =	sld [smem:$0x11];
	(tm) =	ssettm $0x1  }
0x97: {  	s17 =	sld [smem:$0x3FFB];
	_ =	sdelay $0x3  }
0x98: {  	_ =	strace s17  }
0x99: {  	s3 =	sld [smem:$0x3FFC];
	_ =	sdelay $0x3  }
0x9a: {  	_ =	strace s3  }
0x9b: {  	s3 =	sld [smem:$0x3FFD];
	_ =	sdelay $0x3  }
0x9c: {  	_ =	strace s3  }
0x9d: {  	_ =	strace $0x8FFFFFFF  }
0x9e: {  	s18 =	sld [smem:$0x3FDB];
	_ =	sdelay $0x1  }
0x9f: {  	s19 =	simm.s32 $_scs_section_size  }
0xa0: {  	s5 =	simm.s32 $_size__tile_overlayer_lowered;
	s6 =	simm.s32 $_tile_overlayer_lowered  }
0xa1: {  	s22 =	simm.s32 $0x1BFF;
	s21 =	sshll.u32 s6, $0x1;
	s3 =	sadd.s32 s19, s18  }
0xa2: {  	s7 =	simm.s32 $0x0;
	s20 =	sshll.u32 s5, $0x1;
	s5 =	sadd.s32 s21, s3  }
0xa3: {  	[timem:s7], [sflag:s22] =	dma.local [hbm:s5], s20  }
0xa4: {  	_ =	swait.ge [sflag:s22], s20  }
0xa5: {  	s4 =	ssub.s32 $0x0, s20;
	[sflag:s22] =	ssyncset.done $0x0  }
0xa6: {  	[sflag:s22] =	ssyncadd.s32 s4;
	_ =	sdelay $0x1  }
0xa7: {  	s23 =	simm.s32 $0x1B8B  }
0xa8: {  	_ =	swait.ge [sflag:s23], $0x1  }
0xa9: {  	[sflag:s23] =	ssyncset.done $0x0  }
0xaa: {  	s25 =	simm.s32 $0x1B8E;
	s24 =	sld [smem:$0x3FFE];
	[sflag:s23] =	ssyncadd.s32 $0xFFFFFFFF  }
0xab: {  	s26 =	simm.s32 $execute0_lowered;
	[smem:$0x3FD2] =	sst s25  }
0xac: {  	s5 =	sshll.u32 s26, $0x1;
	_ =	strace $0x80000046;
	[dreg:$0x1] =	wrdreg $0xFFFFFFFF  }
0xad: {  	s28 =	simm.s32 $_size_execute0_lowered;
	s3 =	sadd.s32 s3, s5;
	[dreg:$0x0] =	wrdreg $0x0  }
0xae: {  	s5 =	sshll.u32 s28, $0x1;
	[dreg:$0x2] =	wrdreg s3  }
0xaf: {  	[dreg:$0x3] =	wrdreg s5  }
0xb0: {  	[dreg:$0x4] =	wrdreg $0xC0  }
0xb1: {  	_ =	task [dreg:s7], $0x5FFFF  }
0xb2: {  	[dreg:$0x1] =	wrdreg $0xFFFFFFFF  }
0xb3: {  	[dreg:$0x0] =	wrdreg $0x60  }
0xb4: {  	[dreg:$0x2] =	wrdreg s24  }
0xb5: {  	[dreg:$0x3] =	wrdreg s16  }
0xb6: {  	[dreg:$0x4] =	wrdreg $0xC3100  }
0xb7: {  	[dreg:$0x5] =	wrdreg $0x9  }
0xb8: {  	_ =	task.clear_ibuf [dreg:s7], $0x6FFFF;
	_ =	strace $0x90000046  }
0xb9: {  	s29 =	simm.s32 $0x9;
	_ =	strace $0x80000048  }
0xba: {  	_ =	swait.ge [sflag:s29], $0x1  }
0xbb: {  	[sflag:s29] =	ssyncadd.s32 $0xFFFFFFFF  }
0xbc: {  	_ =	strace $0x90000048  }
0xbd: {  	_ =	sfence  }
0xbe: {  	s30 =	sld [smem:$0x0];
	_ =	sdelay $0x2  }
0xbf: {  	s31 =	sshll.u32 s1, $0xD;
	s1 =	sshrl.u32 s1, $0x2  }
0xc0: {  	s3 =	sand.u32 $0x4000, s31;
	s1 =	sadd.s32 s1, s30  }
0xc1: {  	s0 =	sor.u32 s3, s0;
	s1 =	sshll.u32 s1, $0x11  }
0xc2: {  	s0 =	sor.u32 s1, s0  }
0xc3: {  	s0 =	sadd.s32 $0x8F2B, s0  }
0xc4: {  	[sflag:s0] =	ssyncadd.remote.s32 $0x1  }
0xc5: {  	_ =	sfence.sel $0xFFFF  }
0xc6: {  	[dreg:$0x0] =	wrdreg $0xFFFFFFFF;
	(pc) =	sbr.abs _section_cstart, $3  }
0xc7: {  	[dreg:$0x1] =	wrdreg $0xFFFFFFFF  }
0xc8: {  	_ =	task.clear_ibuf [dreg:s7], $0x2FFFF;
	_ =	strace $0x9FFFFFFF  }
0xc9: {  	(tm) =	ssettm $0x7FFFFFFF  }
tec
execute0_lowered:
.L_overlay_start_1:
0x0: {  	(tag) =	ssettag $0x1  }
0x1: {  	s0 =	rddreg [dreg:$0x0]  }
0x2: {  	s9 =	rddreg [dreg:$0x1]  }
0x3: {  	s1 =	rddreg [dreg:$0x2]  }
0x4: {  	s2 =	simm.s32 $0x0;
	s3 =	srdreg.scid;
	s15 =	stileid.u32  }
0x5: {  	s12 =	simm.s32 $0x200;
	s13 =	simm.s32 $0x1;
	s14 =	simm.s32 $0x40  }
0x6: {  	s16 =	simm.s32 $0x2C0;
	s17 =	simm.s32 $0xB300;
	s18 =	simm.s32 $0xC300  }
0x7: {  	s19 =	simm.s32 $0x2;
	s20 =	simm.s32 $0x0;
	[smem:$0x7FF] =	sst s2  }
0x8: {  	s10 =	sand.u32 $0x1, s3;
	s5 =	sshll.u32 s15, $0x5;
	s3 =	sadd.s32 $0x600, s0  }
0x9: {  	s8 =	sshll.u32 s15, $0x4;
	p0 =	sne.s32 s15, $0x0;
	_ =	strace $0x80000047  }
0xa: {  	s4 =	sshll.u32 s10, $0x9;
	s6 =	ssub.s32 $0x2, s10;
	s8 =	sadd.s32 s8, s1  }
0xb: {  	s31 =	sshll.u32 s10, $0x1;
	s5 =	sor.u32 s5, s4;
	s7 =	sshrl.u32 s6, $0x1  }
0xc: {  	s4 =	sadd.s32 $0x20600, s0;
	s9 =	sadd.s32 s9, s31;
	s0 =	sadd.s32 s5, s0  }
0xd: {  	s11 =	ssub.s32 s6, s7;
	s5 =	sadd.s32 $0x40E00, s0;
	s6 =	sadd.s32 $0x40A00, s0  }
0xe: {  	vm0 =	vcmask $0x300;
	s7 =	sadd.s32 $0x40600, s0;
	s10 =	smax.u32 s11, $0x1;
	s11 =	simm.s32 $0x100  }
.LBB2_1:
0xf: {  	[tilespmem:s2], [sflag:$0x1] =	stream.linear.gather [hbm4b:s5+s2], $0x100, $0x38;
	[tilespmem:$0xC420] =	vst v63  }
0x10: {  	_ = 	snop  }
0x11: {  	[tilespmem:s11], [sflag:$0x1] =	stream.linear.gather [hbm4b:s6+s2], $0x100, $0x38;
	[tilespmem:$0xC420] =	vst v63  }
0x12: {  	_ = 	snop  }
0x13: {  	[tilespmem:s12], [sflag:$0x1] =	stream.linear.gather [hbm4b:s7+s2], $0x100, $0x38;
	[tilespmem:$0xC420] =	vst v63  }
0x14: {  	_ =	swait.ge [sflag:s13], $0x100  }
0x15: {  	[sflag:s13] =	ssyncset.done $0x0  }
0x16: {  	[sflag:s13] =	ssyncadd.s32 $0xFFFFFF00  }
0x17: {  	_ =	swait.ge [sflag:s13], $0x100  }
0x18: {  	[sflag:s13] =	ssyncset.done $0x0  }
0x19: {  	[sflag:s13] =	ssyncadd.s32 $0xFFFFFF00  }
0x1a: {  	_ =	swait.ge [sflag:s13], $0x100  }
0x1b: {  	[sflag:s13] =	ssyncset.done $0x0  }
0x1c: {  	s0 =	simm.s32 $0x300;
	[sflag:s13] =	ssyncadd.s32 $0xFFFFFF00  }
0x1d: {  	[tilespmem:s0], [sflag:$0x1] =	stream.indirect.gather [hbm4b:s3+s14], $0x40, s2, s14, $0xb8;
	[tilespmem:$0xC420] =	vst v63  }
0x1e: {  	s25 =	simm.s32 $0x4300  }
0x1f: {  	[tilespmem:s25], [sflag:$0x1] =	stream.indirect.gather [hbm4b:s4+s14], $0x40, s11, s14, $0xb8;
	[tilespmem:$0xC420] =	vst v63  }
0x20: {  	s26 =	simm.s32 $0x8300  }
0x21: {  	[tilespmem:s26], [sflag:$0x1] =	stream.indirect.gather [hbm4b:s4+s14], $0x40, s12, s14, $0xb8;
	[tilespmem:$0xC420] =	vst v63  }
0x22: {  	s28 =	simm.s32 $0x1300  }
0x23: {  	[tilespmem:s28], [sflag:$0x1] =	stream.indirect.gather [hbm4b:s3+s14], $0x40, s14, s14, $0xb8;
	[tilespmem:$0xC420] =	vst v63  }
0x24: {  	s29 =	simm.s32 $0x140;
	s15 =	simm.s32 $0x5300  }
0x25: {  	[tilespmem:s15], [sflag:$0x1] =	stream.indirect.gather [hbm4b:s4+s14], $0x40, s29, s14, $0xb8;
	[tilespmem:$0xC420] =	vst v63  }
0x26: {  	s30 =	simm.s32 $0x240;
	s31 =	simm.s32 $0x9300  }
0x27: {  	[tilespmem:s31], [sflag:$0x1] =	stream.indirect.gather [hbm4b:s4+s14], $0x40, s30, s14, $0xb8;
	[tilespmem:$0xC420] =	vst v63  }
0x28: {  	s21 =	simm.s32 $0x80;
	s22 =	simm.s32 $0x2300  }
0x29: {  	[tilespmem:s22], [sflag:$0x1] =	stream.indirect.gather [hbm4b:s3+s14], $0x40, s21, s14, $0xb8;
	[tilespmem:$0xC420] =	vst v63  }
0x2a: {  	s23 =	simm.s32 $0x180;
	s24 =	simm.s32 $0x6300  }
0x2b: {  	[tilespmem:s24], [sflag:$0x1] =	stream.indirect.gather [hbm4b:s4+s14], $0x40, s23, s14, $0xb8;
	[tilespmem:$0xC420] =	vst v63  }
0x2c: {  	s25 =	simm.s32 $0x280;
	s26 =	simm.s32 $0xA300  }
0x2d: {  	[tilespmem:s26], [sflag:$0x1] =	stream.indirect.gather [hbm4b:s4+s14], $0x40, s25, s14, $0xb8;
	[tilespmem:$0xC420] =	vst v63  }
0x2e: {  	s28 =	simm.s32 $0xC0;
	s29 =	simm.s32 $0x3300  }
0x2f: {  	[tilespmem:s29], [sflag:$0x1] =	stream.indirect.gather [hbm4b:s3+s14], $0x40, s28, s14, $0xb8;
	[tilespmem:$0xC420] =	vst v63  }
0x30: {  	s30 =	simm.s32 $0x1C0;
	s31 =	simm.s32 $0x7300  }
0x31: {  	[tilespmem:s31], [sflag:$0x1] =	stream.indirect.gather [hbm4b:s4+s14], $0x40, s30, s14, $0xb8;
	[tilespmem:$0xC420] =	vst v63  }
0x32: {  	_ = 	snop  }
0x33: {  	[tilespmem:s17], [sflag:$0x1] =	stream.indirect.gather [hbm4b:s4+s14], $0x40, s16, s14, $0xb8;
	[tilespmem:$0xC420] =	vst v63  }
0x34: {  	_ =	swait.ge [sflag:s13], $0x1000  }
0x35: {  	[sflag:s13] =	ssyncset.done $0x0  }
0x36: {  	[sflag:s13] =	ssyncadd.s32 $0xFFFFF000  }
0x37: {  	_ =	swait.ge [sflag:s13], $0x1000  }
0x38: {  	[sflag:s13] =	ssyncset.done $0x0  }
0x39: {  	[sflag:s13] =	ssyncadd.s32 $0xFFFFF000  }
0x3a: {  	_ =	swait.ge [sflag:s13], $0x1000  }
0x3b: {  	[sflag:s13] =	ssyncset.done $0x0  }
0x3c: {  	s22 =	simm.s32 $0x8400;
	[sflag:s13] =	ssyncadd.s32 $0xFFFFF000  }
0x3d: {  	s21 =	simm.s32 $0x400;
	v0 =	vld [tilespmem:s22+$0xB0]  }
0x3e: {  	v11 =	vld [tilespmem:s21+$0xF0]  }
0x3f: {  	v12 =	vld [tilespmem:s21+$0xE0]  }
0x40: {  	s23 =	simm.s32 $0x4400;
	v13 =	vld [tilespmem:s22+$0xF0]  }
0x41: {  	v14 =	vld [tilespmem:s23+$0xF0]  }
0x42: {  	v15 =	vld [tilespmem:s21+$0x70];
	[tilespmem:$0x1FFE0] =	vst v0  }
0x43: {  	v0 =	vld [tilespmem:s21+$0x30];
	_ =	sdelay $0x2  }
0x44: {  	v16 =	vld [tilespmem:s21+$0xD0]  }
0x45: {  	v17 =	vld [tilespmem:s22+$0xE0]  }
0x46: {  	v18 =	vld [tilespmem:s23+$0xE0];
	[tilespmem:$0x1FFF0] =	vst v0  }
0x47: {  	v19 =	vld [tilespmem:s21+$0x60]  }
0x48: {  	v20 =	vld [tilespmem:s22+$0x70]  }
0x49: {  	v21 =	vld [tilespmem:s23+$0x70]  }
0x4a: {  	v2 =	vld [tilespmem:s22+$0xA0]  }
0x4b: {  	v22 =	vld [tilespmem:s21+$0xC0]  }
0x4c: {  	v23 =	vld [tilespmem:s22+$0xD0]  }
0x4d: {  	v24 =	vld [tilespmem:s23+$0xD0]  }
0x4e: {  	v25 =	vld [tilespmem:s21+$0xFFFFFFF0]  }
0x4f: {  	v5 =	vld [tilespmem:s21+$0x20]  }
0x50: {  	v1 =	vld [tilespmem:s22+$0x30]  }
0x51: {  	v7 =	vld [tilespmem:s23+$0x30]  }
0x52: {  	v26 =	vld [tilespmem:s21+$0x50]  }
0x53: {  	v27 =	vld [tilespmem:s22+$0x60]  }
0x54: {  	v28 =	vld [tilespmem:s23+$0x60]  }
0x55: {  	v6 =	vld [tilespmem:s22+$0x90]  }
0x56: {  	v29 =	vld [tilespmem:s22+$0xC0]  }
0x57: {  	v30 =	vld [tilespmem:s23+$0xC0]  }
0x58: {  	v0 =	vld [tilespmem:s21+$0xFFFFFFB0]  }
0x59: {  	v31 =	vld [tilespmem:s21+$0xFFFFFFE0]  }
0x5a: {  	v32 =	vld [tilespmem:s22+$0xFFFFFFF0]  }
0x5b: {  	v33 =	vld [tilespmem:s23+$0xFFFFFFF0]  }
0x5c: {  	v8 =	vld [tilespmem:s22+$0x20]  }
0x5d: {  	v9 =	vld [tilespmem:s23+$0x20]  }
0x5e: {  	v34 =	vld [tilespmem:s21+$0x40]  }
0x5f: {  	v35 =	vld [tilespmem:s22+$0x50]  }
0x60: {  	v36 =	vld [tilespmem:s23+$0x50]  }
0x61: {  	v10 =	vld [tilespmem:s22+$0x80]  }
0x62: {  	v37 =	vld [tilespmem:s21+$0xFFFFFF70]  }
0x63: {  	v38 =	vld [tilespmem:s21+$0xFFFFFFA0]  }
0x64: {  	v39 =	vld [tilespmem:s22+$0xFFFFFFB0]  }
0x65: {  	v40 =	vld [tilespmem:s23+$0xFFFFFFB0]  }
0x66: {  	v41 =	vld [tilespmem:s21+$0xFFFFFFD0]  }
0x67: {  	v42 =	vld [tilespmem:s22+$0xFFFFFFE0]  }
0x68: {  	v43 =	vld [tilespmem:s23+$0xFFFFFFE0]  }
0x69: {  	v44 =	vld [tilespmem:s22+$0x10]  }
0x6a: {  	v45 =	vld [tilespmem:s22+$0x40]  }
0x6b: {  	v46 =	vld [tilespmem:s23+$0x40]  }
0x6c: {  	v47 =	vld [tilespmem:s21+$0xFFFFFF30]  }
0x6d: {  	v48 =	vld [tilespmem:s21+$0xFFFFFF60]  }
0x6e: {  	v49 =	vld [tilespmem:s22+$0xFFFFFF70]  }
0x6f: {  	v50 =	vld [tilespmem:s23+$0xFFFFFF70]  }
0x70: {  	v51 =	vld [tilespmem:s22+$0xFFFFFFA0]  }
0x71: {  	v52 =	vld [tilespmem:s23+$0xFFFFFFA0]  }
0x72: {  	v53 =	vld [tilespmem:s21+$0xFFFFFFC0]  }
0x73: {  	v54 =	vld [tilespmem:s22+$0xFFFFFFD0]  }
0x74: {  	v55 =	vld [tilespmem:s23+$0xFFFFFFD0]  }
0x75: {  	v57 =	vld [tilespmem:s21+$0xFFFFFF20]  }
0x76: {  	v58 =	vld [tilespmem:s22+$0xFFFFFF30]  }
0x77: {  	v59 =	vld [tilespmem:s23+$0xFFFFFF30]  }
0x78: {  	v60 =	vld [tilespmem:s21+$0xFFFFFF50]  }
0x79: {  	v61 =	vld [tilespmem:s22+$0xFFFFFF60]  }
0x7a: {  	v62 =	vld [tilespmem:s23+$0xFFFFFF60]  }
0x7b: {  	v63 =	vld [tilespmem:s22+$0xFFFFFF90]  }
0x7c: {  	v4 =	vld [tilespmem:s22+$0xFFFFFFC0]  }
0x7d: {  	v17 =	vsub.f32 v17, v18;
	v3 =	vld [tilespmem:s23+$0xFFFFFFC0]  }
0x7e: {  	v13 =	vsub.f32 v13, v14;
	v14 =	vld [tilespmem:s22+$0xFFFFFF20]  }
0x7f: {  	v12 =	vmul.f32 v17, v12;
	v17 =	vld [tilespmem:s22+$0xFFFFFF00]  }
0x80: {  	v18 =	vsub.f32 v20, v21;
	v20 =	vsub.f32 v23, v24;
	v21 =	vld [tilespmem:s23+$0xFFFFFF20]  }
0x81: {  	v23 =	vsub.f32 v27, v28;
	v24 =	vsub.f32 v29, v30;
	v27 =	vld [tilespmem:s22+$0xFFFFFF50]  }
0x82: {  	v28 =	vsub.f32 v32, v33;
	v29 =	vsub.f32 v35, v36;
	v35 =	vld [tilespmem:s22+$0xFFFFFF10]  }
0x83: {  	v32 =	vsub.f32 v42, v43;
	v42 =	vsub.f32 v51, v52;
	v52 =	vld [tilespmem:s23+$0xFFFFFF10];
	v22 =	vmul.f32 v24, v22  }
0x84: {  	v11 =	vmul.f32 v13, v11;
	v33 =	vsub.f32 v45, v46;
	v43 =	vsub.f32 v58, v59;
	v59 =	vld [tilespmem:s22+$0xFFFFFF40]  }
0x85: {  	v3 =	vsub.f32 v4, v3;
	v16 =	vmul.f32 v20, v16;
	v20 =	vld [tilespmem:s23+$0xFFFFFF40];
	v22 =	vadd.f32 $0.0e+00, v22  }
0x86: {  	v30 =	vld [tilespmem:s23+$0xFFFFFF50];
	v36 =	vsub.f32 v49, v50;
	v58 =	vsub.f32 v54, v55;
	v4 =	vmul.f32 v33, v34  }
0x87: {  	v62 =	vsub.f32 v61, v62;
	v50 =	vld [tilespmem:s21+$0xFFFFFF40];
	v3 =	vmul.f32 v3, v53;
	v16 =	vadd.f32 v16, v22  }
0x88: {  	v54 =	vld [tilespmem:s23+$0xFFFFFF00];
	v4 =	vadd.f32 $0.0e+00, v4;
	v51 =	vsub.f32 v35, v52;
	v52 =	vmul.f32 v29, v26  }
0x89: {  	v13 =	vld [tilespmem:s22+$0xFFFFFF80];
	v19 =	vmul.f32 v23, v19;
	v3 =	vadd.f32 $0.0e+00, v3;
	v12 =	vadd.f32 v12, v16  }
0x8a: {  	v55 =	vmul.f32 v58, v41;
	v4 =	vadd.f32 v52, v4;
	v16 =	vsub.f32 v59, v20;
	v20 =	vld [tilespmem:s21+$0xFFFFFF00]  }
0x8b: {  	v15 =	vmul.f32 v18, v15;
	v14 =	vsub.f32 v14, v21;
	v11 =	vadd.f32 v11, v12;
	v12 =	vld [tilespmem:s23+$0xFFFFFF80]  }
0x8c: {  	v18 =	vld [tilespmem:s21+$0xFFFFFF10];
	v27 =	vsub.f32 v27, v30;
	v4 =	vadd.f32 v19, v4;
	v16 =	vmul.f32 v16, v50  }
0x8d: {  	v58 =	vld [tilespmem:s23+$0xFFFFFF90];
	v17 =	vsub.f32 v17, v54;
	v3 =	vadd.f32 v55, v3;
	v19 =	vmul.f32 v32, v31  }
0x8e: {  	v59 =	vmul.f32 v27, v60;
	v4 =	vadd.f32 v15, v4;
	v15 =	vld [tilespmem:s21+$0xFFFFFF80];
	v16 =	vadd.f32 $0.0e+00, v16  }
0x8f: {  	v56 =	vld [tilespmem:s22+$0x0];
	v3 =	vadd.f32 v19, v3;
	(xrf2) =	vadd.scan.msk.f32 $0xffff, v11;
	v11 =	vmul.f32 v17, v20;
	v17 =	vmul.f32 v28, v25  }
0x90: {  	v20 =	vmul.f32 v62, v48;
	(xrf2) =	vadd.scan.msk.f32 $0xffff, v4;
	v4 =	vld [tilespmem:s21+$0xFFFFFF90];
	v16 =	vadd.f32 v59, v16;
	v12 =	vsub.f32 v13, v12  }
0x91: {  	v19 =	vld [tilespmem:s23+$0x0];
	v13 =	vmul.f32 v51, v18;
	v11 =	vadd.f32 $0.0e+00, v11;
	v3 =	vadd.f32 v17, v3  }
0x92: {  	v61 =	vld [tilespmem:s21+$0x10];
	v16 =	vadd.f32 v20, v16;
	v20 =	vsub.f32 v63, v58  }
0x93: {  	v17 =	vld [tilespmem:s23+$0x10];
	v11 =	vadd.f32 v13, v11;
	v13 =	vmul.f32 v14, v57;
	v12 =	vmul.f32 v12, v15  }
0x94: {  	v60 =	vld [tilespmem:s21+$0x0];
	v62 =	vsub.f32 v39, v40;
	v18 =	vmul.f32 v36, v37  }
0x95: {  	v15 =	vld [tilespmem:s23+$0x80];
	v4 =	vmul.f32 v20, v4;
	v11 =	vadd.f32 v13, v11;
	v13 =	vadd.f32 $0.0e+00, v12  }
0x96: {  	v18 =	vadd.f32 v18, v16;
	v16 =	vsub.f32 v56, v19;
	v20 =	vld [tilespmem:s23+$0x90];
	v19 =	vmul.f32 v42, v38  }
0x97: {  	v14 =	vmul.f32 v43, v47;
	(xrf2) =	vadd.scan.msk.f32 $0xffff, v3;
	v3 =	vsub.f32 v8, v9;
	v8 =	vld [tilespmem:s21+$0x90];
	v4 =	vadd.f32 v4, v13  }
0x98: {  	v9 =	vld [tilespmem:s23+$0xB0];
	v17 =	vsub.f32 v44, v17;
	(xrf2) =	vadd.scan.msk.f32 $0xffff, v18;
	v18 =	vsub.f32 v1, v7  }
0x99: {  	v12 =	vld [tilespmem:s21+$0x80];
	v63 =	vadd.f32 v14, v11;
	v13 =	vmul.f32 v16, v60;
	v16 =	vmul.f32 v62, v0  }
0x9a: {  	v14 =	vld [tilespmem:s23+$0xA0];
	v10 =	vsub.f32 v10, v15;
	v17 =	vmul.f32 v17, v61;
	v11 =	vadd.f32 v19, v4;
	v19, _, _ =	vpop (xrf2)  }
0x9b: {  	s24 =	simm.f32 $0.0e+00;
	s25 =	simm.s32 $0x0;
	s26 =	simm.s32 $0x600;
	v15 =	vadd.f32 $0.0e+00, v13;
	(xrf2) =	vadd.scan.msk.f32 $0xffff, v63;
	v13 =	vmul.f32 v3, v5;
	v5 =	vsub.f32 v6, v20;
	v3 =	vld [tilespmem:s21+$0xA0];
	v4, _, _ =	vpop (xrf2)  }
.LBB2_2:
0x9c: {  	v0 =	vld [tilespmem:s26+$0xF0]  }
0x9d: {  	v24 =	vld [tilespmem:s26+$0xC0]  }
0x9e: {  	v23 =	vld [tilespmem:s26+$0x50]  }
0x9f: {  	v21 =	vld [tilespmem:s26+$0xFFFFFFE0]  }
0xa0: {  	v41 =	vld [tilespmem:s26+$0x40]  }
0xa1: {  	v27 =	vld [tilespmem:s26+$0xFFFFFF70]  }
0xa2: {  	v44 =	vld [tilespmem:s26+$0xFFFFFFD0]  }
0xa3: {  	v31 =	vld [tilespmem:s26+$0xFFFFFF30]  }
0xa4: {  	v49 =	vld [tilespmem:s26+$0xFFFFFF60]  }
0xa5: {  	v54 =	vld [tilespmem:s26+$0xFFFFFFC0]  }
0xa6: {  	v57 =	vld [tilespmem:s26+$0xFFFFFF20]  }
0xa7: {  	s22 =	sadd.s32 $0x200, s22;
	v60 =	vld [tilespmem:s26+$0xFFFFFF50]  }
0xa8: {  	v7 =	vadd.f32 v16, v11;
	v11 =	vadd.f32 v17, v15;
	v17 =	vld [tilespmem:s22+$0xF0]  }
0xa9: {  	v16 =	vld [tilespmem:s26+$0xD0]  }
0xaa: {  	s23 =	sadd.s32 $0x200, s23;
	v26 =	vld [tilespmem:s22+$0xE0]  }
0xab: {  	v28 =	vld [tilespmem:s23+$0xE0]  }
0xac: {  	v29 =	vld [tilespmem:s22+$0x70]  }
0xad: {  	v30 =	vld [tilespmem:s23+$0x70]  }
0xae: {  	v32 =	vld [tilespmem:s22+$0xD0]  }
0xaf: {  	v33 =	vld [tilespmem:s23+$0xD0]  }
0xb0: {  	v35 =	vld [tilespmem:s22+$0x60]  }
0xb1: {  	v36 =	vld [tilespmem:s23+$0x60]  }
0xb2: {  	v37 =	vld [tilespmem:s22+$0xC0]  }
0xb3: {  	v38 =	vld [tilespmem:s23+$0xC0]  }
0xb4: {  	v39 =	vld [tilespmem:s22+$0xFFFFFFF0]  }
0xb5: {  	v40 =	vld [tilespmem:s23+$0xFFFFFFF0]  }
0xb6: {  	v42 =	vld [tilespmem:s22+$0x50]  }
0xb7: {  	v43 =	vld [tilespmem:s23+$0x50]  }
0xb8: {  	v15 =	vld [tilespmem:s22+$0x80]  }
0xb9: {  	v20 =	vld [tilespmem:s22+$0xFFFFFFB0]  }
0xba: {  	v22 =	vld [tilespmem:s23+$0xFFFFFFB0]  }
0xbb: {  	v45 =	vld [tilespmem:s22+$0xFFFFFFE0]  }
0xbc: {  	v46 =	vld [tilespmem:s23+$0xFFFFFFE0]  }
0xbd: {  	v25 =	vld [tilespmem:s22+$0x10]  }
0xbe: {  	v47 =	vld [tilespmem:s22+$0x40]  }
0xbf: {  	v48 =	vld [tilespmem:s23+$0x40]  }
0xc0: {  	v50 =	vld [tilespmem:s22+$0xFFFFFF70]  }
0xc1: {  	v51 =	vld [tilespmem:s23+$0xFFFFFF70]  }
0xc2: {  	v52 =	vld [tilespmem:s22+$0xFFFFFFA0]  }
0xc3: {  	v53 =	vld [tilespmem:s23+$0xFFFFFFA0]  }
0xc4: {  	v55 =	vld [tilespmem:s22+$0xFFFFFFD0]  }
0xc5: {  	v56 =	vld [tilespmem:s23+$0xFFFFFFD0]  }
0xc6: {  	v34 =	vld [tilespmem:s22+$0x0]  }
0xc7: {  	v58 =	vld [tilespmem:s22+$0xFFFFFF30]  }
0xc8: {  	v59 =	vld [tilespmem:s23+$0xFFFFFF30]  }
0xc9: {  	v61 =	vld [tilespmem:s22+$0xFFFFFF60]  }
0xca: {  	v62 =	vld [tilespmem:s23+$0xFFFFFF60]  }
0xcb: {  	v63 =	vld [tilespmem:s22+$0xFFFFFF90]  }
0xcc: {  	v11 =	vadd.f32 v13, v11;
	v13 =	vld [tilespmem:s23+$0x20]  }
0xcd: {  	[tilespmem:$0x1FFD0] =	vst v0;
	v0 =	vld [tilespmem:$0x1FFF0]  }
0xce: {  	(xrf2) =	vadd.scan.msk.f32 $0xffff, v7;
	v7 =	vld [tilespmem:s23+$0xFFFFFFC0]  }
0xcf: {  	v2 =	vsub.f32 v2, v14;
	v14 =	vld [tilespmem:s21+$0xB0]  }
0xd0: {  	v12 =	vmul.f32 v10, v12;
	v10 =	vld [tilespmem:s26+$0xE0]  }
0xd1: {  	v5 =	vmul.f32 v5, v8;
	v8 =	vld [tilespmem:s26+$0x70]  }
0xd2: {  	v12 =	vadd.f32 $0.0e+00, v12;
	v26 =	vsub.f32 v26, v28;
	v1 =	vmul.f32 v18, v0;
	v0 =	vld [tilespmem:$0x1FFE0]  }
0xd3: {  	v28 =	vsub.f32 v29, v30;
	v29 =	vsub.f32 v32, v33;
	v30 =	vld [tilespmem:s22+$0xFFFFFF50]  }
0xd4: {  	v32 =	vsub.f32 v35, v36;
	v33 =	vsub.f32 v37, v38;
	v35 =	vld [tilespmem:s23+$0xFFFFFF50]  }
0xd5: {  	v36 =	vsub.f32 v39, v40;
	v37 =	vsub.f32 v42, v43;
	v38 =	vld [tilespmem:s22+$0xFFFFFF10]  }
0xd6: {  	v39 =	vsub.f32 v45, v46;
	v42 =	vld [tilespmem:s23+$0xFFFFFF10];
	v5 =	vadd.f32 v5, v12  }
0xd7: {  	v2 =	vmul.f32 v2, v3;
	v46 =	vld [tilespmem:s22+$0xFFFFFF40];
	v1 =	vadd.f32 v1, v11;
	v9 =	vsub.f32 v0, v9  }
0xd8: {  	v6, _, _ =	vpop (xrf2);
	v43 =	vsub.f32 v50, v51;
	v51 =	vld [tilespmem:s23+$0xFFFFFF00]  }
0xd9: {  	v45 =	vsub.f32 v52, v53;
	v53 =	vld [tilespmem:s22+$0xFFFFFF80];
	v3, _, _ =	vpop (xrf2);
	v2 =	vadd.f32 v2, v5;
	(xrf2) =	vadd.scan.msk.f32 $0xffff, v1;
	v5 =	vmul.f32 v9, v14  }
0xda: {  	v62 =	vsub.f32 v61, v62;
	v61 =	vld [tilespmem:s26+$0x0]  }
0xdb: {  	v0 =	vld [tilespmem:s22+$0xB0];
	v1, _, _ =	vpop (xrf2);
	v2 =	vadd.f32 v5, v2  }
0xdc: {  	v12 =	vld [tilespmem:s26+$0xFFFFFFF0];
	(v2sf) =	vpush v1, $0xF  }
0xdd: {  	v24 =	vmul.f32 v33, v24;
	v33 =	vsub.f32 v58, v59;
	v59 =	vld [tilespmem:s23+$0xFFFFFF40]  }
0xde: {  	v58 =	vsub.f32 v55, v56;
	v55 =	vld [tilespmem:s23+$0xFFFFFF80];
	(v2sf) =	vpush v3, $0xF;
	(xrf2) =	vadd.scan.msk.f32 $0xffff, v2  }
0xdf: {  	v16 =	vmul.f32 v29, v16;
	v18 =	vld [tilespmem:s23+$0xF0];
	v24 =	vadd.f32 $0.0e+00, v24;
	v2, _, _ =	vpop (xrf2)  }
0xe0: {  	[tilespmem:$0x1FFE0] =	vst v0;
	v0 =	vld [tilespmem:s26+$0x30];
	(v2sf) =	vpush v2, $0xF  }
0xe1: {  	v10 =	vmul.f32 v26, v10;
	v56 =	vmul.f32 v58, v44;
	v58 =	vld [tilespmem:s23+$0xFFFFFF90];
	v16 =	vadd.f32 v16, v24  }
0xe2: {  	v11 =	vld [tilespmem:s22+$0x20];
	(v2sf) =	vpush v6, $0xF  }
0xe3: {  	v10 =	vadd.f32 v10, v16;
	v16 =	vld [tilespmem:$0x1FFD0];
	v3, _, _ =	vpop (xrf2)  }
0xe4: {  	v17 =	vsub.f32 v17, v18;
	v18 =	vld [tilespmem:s23+$0xFFFFFF20];
	(v2sf) =	vpush v3, $0xF  }
0xe5: {  	[tilespmem:$0x1FFF0] =	vst v0;
	v0 =	vld [tilespmem:s22+$0xFFFFFFC0]  }
0xe6: {  	v1 =	vld [tilespmem:s22+$0xFFFFFF20];
	(v2sf) =	vpush v4, $0xF  }
0xe7: {  	v14 =	vld [tilespmem:s26+$0x60]  }
0xe8: {  	v40 =	vsub.f32 v47, v48;
	v9 =	vld [tilespmem:s26+$0xFFFFFFB0];
	v6, _, _ =	vpop (xrf2)  }
0xe9: {  	v5 =	vld [tilespmem:s23+$0x30];
	v16 =	vmul.f32 v17, v16;
	(v2sf) =	vpush v6, $0xF  }
0xea: {  	v17 =	vld [tilespmem:s26+$0xFFFFFF00];
	v0 =	vsub.f32 v0, v7;
	v7 =	vmul.f32 v40, v41;
	(v2sf) =	vpush v19, $0xF  }
0xeb: {  	v1 =	vsub.f32 v1, v18;
	v18 =	vld [tilespmem:s26+$0xFFFFFF40];
	s0 =	spop (v2sf)  }
0xec: {  	v23 =	vmul.f32 v37, v23;
	v41 =	vld [tilespmem:s22+$0xFFFFFF00];
	v7 =	vadd.f32 $0.0e+00, v7;
	s0 =	sadd.f32 $2.000000030e-01, s0  }
0xed: {  	v21 =	vmul.f32 v39, v21;
	v10 =	vadd.f32 v16, v10;
	v16 =	vld [tilespmem:s26+$0xFFFFFF10];
	v0 =	vmul.f32 v0, v54;
	s15 =	spop (v2sf)  }
0xee: {  	v14 =	vmul.f32 v32, v14;
	v2 =	vld [tilespmem:s22+$0xA0];
	v54 =	vsub.f32 v46, v59;
	s15 =	sadd.f32 $2.000000030e-01, s15;
	v7 =	vadd.f32 v23, v7;
	s0 =	smax.f32 s0, $0.0e+00  }
0xef: {  	v8 =	vmul.f32 v28, v8;
	v30 =	vsub.f32 v30, v35;
	v3 =	vld [tilespmem:s26+$0x20];
	v0 =	vadd.f32 $0.0e+00, v0;
	s0 =	sadd.f32 s0, s24;
	s30 =	spop (v2sf)  }
0xf0: {  	v52 =	vsub.f32 v38, v42;
	v4 =	vld [tilespmem:s22+$0x30];
	v18 =	vmul.f32 v54, v18;
	s15 =	smax.f32 s15, $0.0e+00;
	v7 =	vadd.f32 v14, v7;
	s24 =	sadd.f32 $2.000000030e-01, s30  }
0xf1: {  	v12 =	vmul.f32 v36, v12;
	v6 =	vld [tilespmem:s22+$0x90];
	v14 =	vsub.f32 v41, v51;
	v0 =	vadd.f32 v56, v0;
	s0 =	sadd.f32 s15, s0;
	s31 =	spop (v2sf)  }
0xf2: {  	(xrf2) =	vadd.scan.msk.f32 $0xffff, v10;
	v59 =	vld [tilespmem:s26+$0xFFFFFF80];
	v10 =	vadd.f32 $0.0e+00, v18;
	v18 =	vmul.f32 v30, v60;
	v7 =	vadd.f32 v8, v7;
	s15 =	sadd.f32 $2.000000030e-01, s31;
	s24 =	smax.f32 s24, $0.0e+00  }
0xf3: {  	v13 =	vsub.f32 v11, v13;
	v1 =	vmul.f32 v1, v57;
	v19 =	vld [tilespmem:s26+$0xFFFFFFA0];
	v8 =	vmul.f32 v14, v17;
	s28 =	spop (v2sf);
	s0 =	sadd.f32 s24, s0  }
0xf4: {  	v0 =	vadd.f32 v21, v0;
	v14 =	vld [tilespmem:s23+$0x0];
	v10 =	vadd.f32 v18, v10;
	v17 =	vmul.f32 v62, v49;
	(xrf2) =	vadd.scan.msk.f32 $0xffff, v7;
	s15 =	smax.f32 s15, $0.0e+00;
	s24 =	sadd.f32 $2.000000030e-01, s28  }
0xf5: {  	v60 =	vld [tilespmem:s26+$0xFFFFFF90];
	v18 =	vsub.f32 v53, v55;
	v7 =	vadd.f32 $0.0e+00, v8;
	v8 =	vmul.f32 v52, v16;
	s29 =	spop (v2sf);
	s0 =	sadd.f32 s15, s0  }
0xf6: {  	v0 =	vadd.f32 v12, v0;
	v12 =	vld [tilespmem:s23+$0x10];
	v10 =	vadd.f32 v17, v10;
	v16 =	vmul.f32 v43, v27;
	s24 =	smax.f32 s24, $0.0e+00;
	s15 =	sadd.f32 $2.000000030e-01, s29  }
0xf7: {  	s25 =	sadd.s32 $0x8, s25;
	v17 =	vsub.f32 v63, v58;
	v7 =	vadd.f32 v8, v7;
	v8 =	vmul.f32 v18, v59;
	v18 =	vld [tilespmem:s23+$0x80];
	s0 =	sadd.f32 s24, s0  }
0xf8: {  	p1 =	slt.u32 s25, $0x38;
	v13 =	vmul.f32 v13, v3;
	v63 =	vld [tilespmem:s23+$0x90];
	v10 =	vadd.f32 v16, v10;
	v16 =	vsub.f32 v20, v22;
	s30 =	spop (v2sf);
	s15 =	smax.f32 s15, $0.0e+00  }
0xf9: {  	s21 =	smov.u32 s26;
	v62 =	vld [tilespmem:s26+$0x10];
	(xrf2) =	vadd.scan.msk.f32 $0xffff, v0;
	v0 =	vmul.f32 v33, v31;
	v14 =	vsub.f32 v34, v14;
	v1 =	vadd.f32 v1, v7;
	s24 =	sadd.f32 $2.000000030e-01, s30;
	s31 =	spop (v2sf)  }
.Ltmp0:
0xfa: {  	v3 =	vld [tilespmem:s21+$0xA0];
	v7 =	vadd.f32 $0.0e+00, v8;
	v8 =	vmul.f32 v17, v60;
	v17 =	vmul.f32 v45, v19;
	s0 =	sadd.f32 s15, s0;
	(pc) =	sbr.rel @p1 .LBB2_2-.Ltmp0, $4  }
0xfb: {  	v16 =	vmul.f32 v16, v9;
	v9 =	vld [tilespmem:s23+$0xB0];
	v20 =	vsub.f32 v25, v12;
	v0 =	vadd.f32 v0, v1;
	s15 =	sadd.f32 $2.000000030e-01, s31;
	s24 =	smax.f32 s24, $0.0e+00  }
0xfc: {  	(xrf2) =	vadd.scan.msk.f32 $0xffff, v10;
	v12 =	vld [tilespmem:s26+$0x80];
	v1 =	vadd.f32 v8, v7;
	v7 =	vmul.f32 v14, v61;
	v10 =	vsub.f32 v15, v18;
	s0 =	sadd.f32 s24, s0  }
0xfd: {  	v19, _, _ =	vpop (xrf2);
	v14 =	vld [tilespmem:s23+$0xA0];
	v18 =	vsub.f32 v4, v5;
	v5 =	vsub.f32 v6, v63;
	s15 =	smax.f32 s15, $0.0e+00  }
0xfe: {  	v8 =	vld [tilespmem:s26+$0x90];
	s26 =	sadd.s32 $0x200, s26;
	v11 =	vadd.f32 v17, v1;
	v15 =	vadd.f32 $0.0e+00, v7;
	v17 =	vmul.f32 v20, v62;
	(xrf2) =	vadd.scan.msk.f32 $0xffff, v0;
	v4, _, _ =	vpop (xrf2);
	s24 =	sadd.f32 s15, s0  }
0xff: {  	_ =	sdelay $0x2  }
0x100: {  	v0 =	vmul.f32 v10, v12;
	v10 =	vld [tilespmem:$0x1FFE0]  }
0x101: {  	v5 =	vmul.f32 v5, v8;
	v8 =	vld [tilespmem:$0x1FFF0];
	_ =	sdelay $0x1  }
0x102: {  	v6 =	vld [tilespmem:s21+$0xB0];
	v1 =	vadd.f32 v17, v15;
	v2 =	vsub.f32 v2, v14  }
0x103: {  	v0 =	vadd.f32 $0.0e+00, v0  }
0x104: {  	v7 =	vadd.f32 v16, v11;
	v1 =	vadd.f32 v13, v1;
	v2 =	vmul.f32 v2, v3  }
0x105: {  	v0 =	vadd.f32 v5, v0;
	v9 =	vsub.f32 v10, v9;
	v8 =	vmul.f32 v18, v8;
	_ =	sdelay $0x1  }
0x106: {  	(xrf2) =	vadd.scan.msk.f32 $0xffff, v7;
	v0 =	vadd.f32 v2, v0;
	v2 =	vmul.f32 v9, v6;
	v1 =	vadd.f32 v8, v1;
	_ =	sdelay $0x1  }
0x107: {  	v0 =	vadd.f32 v2, v0;
	(xrf2) =	vadd.scan.msk.f32 $0xffff, v1;
	_ =	sdelay $0x1  }
0x108: {  	(xrf2) =	vadd.scan.msk.f32 $0xffff, v0;
	_ =	sdelay $0x1  }
0x109: {  	v0, _, _ =	vpop (xrf2)  }
0x10a: {  	v1, _, _ =	vpop (xrf2)  }
0x10b: {  	v2, _, _ =	vpop (xrf2)  }
0x10c: {  	(v2sf) =	vpush v2, $0xF  }
0x10d: {  	(v2sf) =	vpush v1, $0xF;
	v1, _, _ =	vpop (xrf2)  }
0x10e: {  	(v2sf) =	vpush v1, $0xF  }
0x10f: {  	(v2sf) =	vpush v0, $0xF;
	v0, _, _ =	vpop (xrf2)  }
0x110: {  	(v2sf) =	vpush v0, $0xF  }
0x111: {  	v0, _, _ =	vpop (xrf2);
	(v2sf) =	vpush v4, $0xF  }
0x112: {  	(v2sf) =	vpush v0, $0xF  }
0x113: {  	(v2sf) =	vpush v19, $0xF;
	_ =	sdelay $0x7  }
0x114: {  	s15 =	spop (v2sf)  }
0x115: {  	s0 =	spop (v2sf)  }
0x116: {  	s31 =	spop (v2sf)  }
0x117: {  	s30 =	spop (v2sf)  }
0x118: {  	s29 =	spop (v2sf)  }
0x119: {  	s28 =	spop (v2sf)  }
0x11a: {  	s26 =	spop (v2sf)  }
0x11b: {  	s25 =	spop (v2sf)  }
0x11c: {  	_ =	swait.ge [sflag:s13], $0x1000  }
0x11d: {  	[sflag:s13] =	ssyncset.done $0x0  }
0x11e: {  	[sflag:s13] =	ssyncadd.s32 $0xFFFFF000  }
0x11f: {  	_ =	swait.ge [sflag:s13], $0x1000  }
0x120: {  	[sflag:s13] =	ssyncset.done $0x0  }
0x121: {  	[sflag:s13] =	ssyncadd.s32 $0xFFFFF000  }
0x122: {  	_ =	swait.ge [sflag:s13], $0x1000  }
0x123: {  	[sflag:s13] =	ssyncset.done $0x0  }
0x124: {  	s22 =	simm.s32 $0x94F0;
	[sflag:s13] =	ssyncadd.s32 $0xFFFFF000  }
0x125: {  	s21 =	simm.s32 $0x14F0;
	v0 =	vld [tilespmem:s22+$0xFFFFFFC0]  }
0x126: {  	v15 =	vld [tilespmem:s21+$0x0]  }
0x127: {  	v16 =	vld [tilespmem:s21+$0xFFFFFFF0]  }
0x128: {  	s23 =	simm.s32 $0x54F0;
	v17 =	vld [tilespmem:s22+$0x0]  }
0x129: {  	v18 =	vld [tilespmem:s23+$0x0]  }
0x12a: {  	v19 =	vld [tilespmem:s21+$0xFFFFFF80];
	[tilespmem:$0x1FFB0] =	vst v0  }
0x12b: {  	v0 =	vld [tilespmem:s21+$0xFFFFFF40];
	_ =	sdelay $0x2  }
0x12c: {  	v20 =	vld [tilespmem:s21+$0xFFFFFFE0]  }
0x12d: {  	v21 =	vld [tilespmem:s22+$0xFFFFFFF0]  }
0x12e: {  	v22 =	vld [tilespmem:s23+$0xFFFFFFF0];
	[tilespmem:$0x1FFC0] =	vst v0  }
0x12f: {  	v23 =	vld [tilespmem:s21+$0xFFFFFF70]  }
0x130: {  	v24 =	vld [tilespmem:s22+$0xFFFFFF80]  }
0x131: {  	v25 =	vld [tilespmem:s23+$0xFFFFFF80]  }
0x132: {  	v2 =	vld [tilespmem:s22+$0xFFFFFFB0]  }
0x133: {  	v26 =	vld [tilespmem:s21+$0xFFFFFFD0]  }
0x134: {  	v27 =	vld [tilespmem:s22+$0xFFFFFFE0]  }
0x135: {  	v28 =	vld [tilespmem:s23+$0xFFFFFFE0]  }
0x136: {  	v29 =	vld [tilespmem:s21+$0xFFFFFF00]  }
0x137: {  	v5 =	vld [tilespmem:s21+$0xFFFFFF30]  }
0x138: {  	v1 =	vld [tilespmem:s22+$0xFFFFFF40]  }
0x139: {  	v7 =	vld [tilespmem:s23+$0xFFFFFF40]  }
0x13a: {  	v30 =	vld [tilespmem:s21+$0xFFFFFF60]  }
0x13b: {  	v31 =	vld [tilespmem:s22+$0xFFFFFF70]  }
0x13c: {  	v32 =	vld [tilespmem:s23+$0xFFFFFF70]  }
0x13d: {  	v6 =	vld [tilespmem:s22+$0xFFFFFFA0]  }
0x13e: {  	v33 =	vld [tilespmem:s22+$0xFFFFFFD0]  }
0x13f: {  	v34 =	vld [tilespmem:s23+$0xFFFFFFD0]  }
0x140: {  	v0 =	vld [tilespmem:s21+$0xFFFFFEC0]  }
0x141: {  	v35 =	vld [tilespmem:s21+$0xFFFFFEF0]  }
0x142: {  	v36 =	vld [tilespmem:s22+$0xFFFFFF00]  }
0x143: {  	v37 =	vld [tilespmem:s23+$0xFFFFFF00]  }
0x144: {  	v8 =	vld [tilespmem:s22+$0xFFFFFF30]  }
0x145: {  	v9 =	vld [tilespmem:s23+$0xFFFFFF30]  }
0x146: {  	v38 =	vld [tilespmem:s21+$0xFFFFFF50]  }
0x147: {  	v39 =	vld [tilespmem:s22+$0xFFFFFF60]  }
0x148: {  	v40 =	vld [tilespmem:s23+$0xFFFFFF60]  }
0x149: {  	v10 =	vld [tilespmem:s22+$0xFFFFFF90]  }
0x14a: {  	v41 =	vld [tilespmem:s21+$0xFFFFFE80]  }
0x14b: {  	v11 =	vld [tilespmem:s21+$0xFFFFFEB0]  }
0x14c: {  	v12 =	vld [tilespmem:s22+$0xFFFFFEC0]  }
0x14d: {  	v13 =	vld [tilespmem:s23+$0xFFFFFEC0]  }
0x14e: {  	v42 =	vld [tilespmem:s21+$0xFFFFFEE0]  }
0x14f: {  	v43 =	vld [tilespmem:s22+$0xFFFFFEF0]  }
0x150: {  	v44 =	vld [tilespmem:s23+$0xFFFFFEF0]  }
0x151: {  	v14 =	vld [tilespmem:s22+$0xFFFFFF20]  }
0x152: {  	v45 =	vld [tilespmem:s22+$0xFFFFFF50]  }
0x153: {  	v46 =	vld [tilespmem:s23+$0xFFFFFF50]  }
0x154: {  	v48 =	vld [tilespmem:s21+$0xFFFFFE70]  }
0x155: {  	v49 =	vld [tilespmem:s22+$0xFFFFFE80]  }
0x156: {  	v50 =	vld [tilespmem:s23+$0xFFFFFE80]  }
0x157: {  	v51 =	vld [tilespmem:s22+$0xFFFFFEB0]  }
0x158: {  	v52 =	vld [tilespmem:s23+$0xFFFFFEB0]  }
0x159: {  	v53 =	vld [tilespmem:s21+$0xFFFFFED0]  }
0x15a: {  	v54 =	vld [tilespmem:s22+$0xFFFFFEE0]  }
0x15b: {  	v55 =	vld [tilespmem:s23+$0xFFFFFEE0]  }
0x15c: {  	v56 =	vld [tilespmem:s22+$0xFFFFFF10]  }
0x15d: {  	v58 =	vld [tilespmem:s22+$0xFFFFFE40]  }
0x15e: {  	v59 =	vld [tilespmem:s23+$0xFFFFFE40]  }
0x15f: {  	v60 =	vld [tilespmem:s21+$0xFFFFFE60]  }
0x160: {  	v61 =	vld [tilespmem:s22+$0xFFFFFE70]  }
0x161: {  	v62 =	vld [tilespmem:s23+$0xFFFFFE70]  }
0x162: {  	v63 =	vld [tilespmem:s22+$0xFFFFFEA0]  }
0x163: {  	v4 =	vld [tilespmem:s22+$0xFFFFFED0]  }
0x164: {  	v17 =	vsub.f32 v17, v18;
	v3 =	vld [tilespmem:s23+$0xFFFFFED0]  }
0x165: {  	v18 =	vld [tilespmem:s22+$0xFFFFFE30]  }
0x166: {  	v15 =	vmul.f32 v17, v15;
	v21 =	vsub.f32 v21, v22;
	v17 =	vld [tilespmem:s22+$0xFFFFFE90]  }
0x167: {  	v22 =	vsub.f32 v24, v25;
	v24 =	vsub.f32 v27, v28;
	v25 =	vld [tilespmem:s23+$0xFFFFFE30]  }
0x168: {  	v27 =	vsub.f32 v31, v32;
	v28 =	vsub.f32 v33, v34;
	v31 =	vld [tilespmem:s22+$0xFFFFFE60]  }
0x169: {  	v32 =	vsub.f32 v36, v37;
	v33 =	vsub.f32 v39, v40;
	v34 =	vld [tilespmem:s23+$0xFFFFFE60]  }
0x16a: {  	v36 =	vsub.f32 v43, v44;
	v37 =	vsub.f32 v45, v46;
	v39 =	vld [tilespmem:s22+$0xFFFFFE20]  }
0x16b: {  	v43 =	vsub.f32 v51, v52;
	v52 =	vsub.f32 v54, v55;
	v54 =	vld [tilespmem:s22+$0xFFFFFE50]  }
0x16c: {  	v44 =	vsub.f32 v58, v59;
	v58 =	vld [tilespmem:s23+$0xFFFFFE50];
	v26 =	vmul.f32 v28, v26  }
0x16d: {  	v3 =	vsub.f32 v4, v3;
	v59 =	vld [tilespmem:s21+$0xFFFFFE50];
	v4 =	vmul.f32 v37, v38  }
0x16e: {  	v28 =	vld [tilespmem:s23+$0xFFFFFE20];
	v20 =	vmul.f32 v24, v20;
	v26 =	vadd.f32 $0.0e+00, v26  }
0x16f: {  	v16 =	vmul.f32 v21, v16;
	v55 =	vsub.f32 v61, v62;
	v61 =	vld [tilespmem:s22+$0xFFFFFE10];
	v4 =	vadd.f32 $0.0e+00, v4  }
0x170: {  	v46 =	vld [tilespmem:s23+$0xFFFFFEA0];
	v31 =	vsub.f32 v31, v34;
	v34 =	vmul.f32 v33, v30;
	v20 =	vadd.f32 v20, v26  }
0x171: {  	v40 =	vsub.f32 v49, v50;
	v13 =	vsub.f32 v12, v13;
	v37 =	vld [tilespmem:s23+$0xFFFFFE10];
	v3 =	vmul.f32 v3, v53  }
0x172: {  	s15 =	sadd.f32 $2.000000030e-01, s15;
	v23 =	vmul.f32 v27, v23;
	v38 =	vld [tilespmem:s21+$0xFFFFFE10];
	v4 =	vadd.f32 v34, v4;
	v16 =	vadd.f32 v16, v20  }
0x173: {  	v19 =	vmul.f32 v22, v19;
	v62 =	vsub.f32 v39, v28;
	v39 =	vmul.f32 v52, v42;
	v42 =	vld [tilespmem:s21+$0xFFFFFE20]  }
0x174: {  	s0 =	sadd.f32 $2.000000030e-01, s0;
	s15 =	smax.f32 s15, $0.0e+00;
	v45 =	vmul.f32 v36, v35;
	v4 =	vadd.f32 v23, v4;
	v15 =	vadd.f32 v15, v16;
	v16 =	vld [tilespmem:s23+$0xFFFFFE90]  }
0x175: {  	s15 =	sadd.f32 s15, s24;
	v51 =	vmul.f32 v32, v29;
	v3 =	vadd.f32 $0.0e+00, v3;
	v52 =	vld [tilespmem:s23+$0xFFFFFF10];
	v20 =	vsub.f32 v54, v58  }
0x176: {  	s31 =	sadd.f32 $2.000000030e-01, s31;
	s0 =	smax.f32 s0, $0.0e+00;
	v53 =	vmul.f32 v55, v48;
	v21 =	vsub.f32 v61, v37;
	v4 =	vadd.f32 v19, v4;
	v19 =	vld [tilespmem:s21+$0xFFFFFE90]  }
0x177: {  	s0 =	sadd.f32 s0, s15;
	v57 =	vld [tilespmem:s21+$0xFFFFFE30];
	v55 =	vmul.f32 v40, v41;
	v18 =	vsub.f32 v18, v25;
	v20 =	vmul.f32 v20, v59;
	(xrf2) =	vadd.scan.msk.f32 $0xffff, v15  }
0x178: {  	s24 =	smax.f32 s31, $0.0e+00;
	s31 =	sadd.f32 $2.000000030e-01, s30;
	v58 =	vsub.f32 v63, v46;
	v3 =	vadd.f32 v39, v3;
	v15 =	vmul.f32 v21, v38;
	(xrf2) =	vadd.scan.msk.f32 $0xffff, v4;
	v4 =	vld [tilespmem:s21+$0xFFFFFEA0]  }
0x179: {  	s0 =	sadd.f32 s24, s0;
	v47 =	vld [tilespmem:s21+$0xFFFFFE40];
	v50 =	vmul.f32 v31, v60;
	v20 =	vadd.f32 $0.0e+00, v20;
	v16 =	vsub.f32 v17, v16  }
0x17a: {  	s29 =	sadd.f32 $2.000000030e-01, s29;
	s24 =	smax.f32 s31, $0.0e+00;
	v54 =	vld [tilespmem:s23+$0xFFFFFF20];
	v3 =	vadd.f32 v45, v3;
	v15 =	vadd.f32 $0.0e+00, v15;
	v17 =	vmul.f32 v62, v42  }
0x17b: {  	s0 =	sadd.f32 s24, s0;
	v59 =	vld [tilespmem:s21+$0xFFFFFF10];
	v60 =	vsub.f32 v56, v52;
	v20 =	vadd.f32 v50, v20;
	v16 =	vmul.f32 v16, v19  }
0x17c: {  	s31 =	sadd.f32 $2.000000030e-01, s28;
	s30 =	smax.f32 s29, $0.0e+00;
	v3 =	vadd.f32 v51, v3;
	v62 =	vld [tilespmem:s23+$0xFFFFFFA0];
	v15 =	vadd.f32 v17, v15;
	v17 =	vmul.f32 v18, v57  }
0x17d: {  	s0 =	sadd.f32 s30, s0;
	v20 =	vadd.f32 v53, v20;
	v18 =	vld [tilespmem:s23+$0xFFFFFF90];
	v4 =	vmul.f32 v58, v4;
	v16 =	vadd.f32 $0.0e+00, v16  }
0x17e: {  	s28 =	sadd.f32 $2.000000030e-01, s26;
	s24 =	smax.f32 s31, $0.0e+00;
	v61 =	vld [tilespmem:s21+$0xFFFFFF20];
	(xrf2) =	vadd.scan.msk.f32 $0xffff, v3;
	v3 =	vsub.f32 v8, v9;
	v19 =	vmul.f32 v44, v47;
	v15 =	vadd.f32 v17, v15  }
0x17f: {  	s0 =	sadd.f32 s24, s0;
	v12 =	vld [tilespmem:s21+$0xFFFFFF90];
	v11 =	vmul.f32 v43, v11;
	v20 =	vadd.f32 v55, v20;
	v4 =	vadd.f32 v4, v16  }
0x180: {  	s29 =	smax.f32 s28, $0.0e+00;
	s30 =	sadd.f32 $2.000000030e-01, s25;
	v8 =	vld [tilespmem:s21+$0xFFFFFFA0];
	v17 =	vsub.f32 v14, v54;
	v63 =	vadd.f32 v19, v15;
	v15 =	vmul.f32 v60, v59  }
0x181: {  	s0 =	sadd.f32 s29, s0;
	v9 =	vld [tilespmem:s23+$0xFFFFFFC0];
	v16 =	vmul.f32 v13, v0;
	v13 =	vmul.f32 v3, v5;
	v5 =	vsub.f32 v6, v62  }
0x182: {  	s31 =	smax.f32 s30, $0.0e+00;
	v14 =	vld [tilespmem:s23+$0xFFFFFFB0];
	(xrf2) =	vadd.scan.msk.f32 $0xffff, v20;
	v10 =	vsub.f32 v10, v18;
	v19, _, _ =	vpop (xrf2);
	v18 =	vsub.f32 v1, v7  }
0x183: {  	s26 =	simm.s32 $0x16F0;
	s25 =	simm.s32 $0x40;
	s24 =	sadd.f32 s31, s0;
	v17 =	vmul.f32 v17, v61;
	v3 =	vld [tilespmem:s21+$0xFFFFFFB0];
	v11 =	vadd.f32 v11, v4;
	v15 =	vadd.f32 $0.0e+00, v15;
	(xrf2) =	vadd.scan.msk.f32 $0xffff, v63;
	v4, _, _ =	vpop (xrf2)  }
.LBB2_4:
0x184: {  	v0 =	vld [tilespmem:s26+$0x0]  }
0x185: {  	v24 =	vld [tilespmem:s26+$0xFFFFFFD0]  }
0x186: {  	v23 =	vld [tilespmem:s26+$0xFFFFFF60]  }
0x187: {  	v21 =	vld [tilespmem:s26+$0xFFFFFEF0]  }
0x188: {  	v41 =	vld [tilespmem:s26+$0xFFFFFF50]  }
0x189: {  	v27 =	vld [tilespmem:s26+$0xFFFFFE80]  }
0x18a: {  	v44 =	vld [tilespmem:s26+$0xFFFFFEE0]  }
0x18b: {  	v31 =	vld [tilespmem:s26+$0xFFFFFE40]  }
0x18c: {  	v49 =	vld [tilespmem:s26+$0xFFFFFE70]  }
0x18d: {  	v54 =	vld [tilespmem:s26+$0xFFFFFED0]  }
0x18e: {  	v57 =	vld [tilespmem:s26+$0xFFFFFE30]  }
0x18f: {  	s22 =	sadd.s32 $0x200, s22;
	v60 =	vld [tilespmem:s26+$0xFFFFFE60]  }
0x190: {  	v7 =	vadd.f32 v16, v11;
	v11 =	vadd.f32 v17, v15;
	v17 =	vld [tilespmem:s22+$0x0]  }
0x191: {  	v16 =	vld [tilespmem:s26+$0xFFFFFFE0]  }
0x192: {  	s23 =	sadd.s32 $0x200, s23;
	v26 =	vld [tilespmem:s22+$0xFFFFFFF0]  }
0x193: {  	v28 =	vld [tilespmem:s23+$0xFFFFFFF0]  }
0x194: {  	v29 =	vld [tilespmem:s22+$0xFFFFFF80]  }
0x195: {  	v30 =	vld [tilespmem:s23+$0xFFFFFF80]  }
0x196: {  	v32 =	vld [tilespmem:s22+$0xFFFFFFE0]  }
0x197: {  	v33 =	vld [tilespmem:s23+$0xFFFFFFE0]  }
0x198: {  	v35 =	vld [tilespmem:s22+$0xFFFFFF70]  }
0x199: {  	v36 =	vld [tilespmem:s23+$0xFFFFFF70]  }
0x19a: {  	v37 =	vld [tilespmem:s22+$0xFFFFFFD0]  }
0x19b: {  	v38 =	vld [tilespmem:s23+$0xFFFFFFD0]  }
0x19c: {  	v39 =	vld [tilespmem:s22+$0xFFFFFF00]  }
0x19d: {  	v40 =	vld [tilespmem:s23+$0xFFFFFF00]  }
0x19e: {  	v42 =	vld [tilespmem:s22+$0xFFFFFF60]  }
0x19f: {  	v43 =	vld [tilespmem:s23+$0xFFFFFF60]  }
0x1a0: {  	v15 =	vld [tilespmem:s22+$0xFFFFFF90]  }
0x1a1: {  	v20 =	vld [tilespmem:s22+$0xFFFFFEC0]  }
0x1a2: {  	v22 =	vld [tilespmem:s23+$0xFFFFFEC0]  }
0x1a3: {  	v45 =	vld [tilespmem:s22+$0xFFFFFEF0]  }
0x1a4: {  	v46 =	vld [tilespmem:s23+$0xFFFFFEF0]  }
0x1a5: {  	v25 =	vld [tilespmem:s22+$0xFFFFFF20]  }
0x1a6: {  	v47 =	vld [tilespmem:s22+$0xFFFFFF50]  }
0x1a7: {  	v48 =	vld [tilespmem:s23+$0xFFFFFF50]  }
0x1a8: {  	v50 =	vld [tilespmem:s22+$0xFFFFFE80]  }
0x1a9: {  	v51 =	vld [tilespmem:s23+$0xFFFFFE80]  }
0x1aa: {  	v52 =	vld [tilespmem:s22+$0xFFFFFEB0]  }
0x1ab: {  	v53 =	vld [tilespmem:s23+$0xFFFFFEB0]  }
0x1ac: {  	v55 =	vld [tilespmem:s22+$0xFFFFFEE0]  }
0x1ad: {  	v56 =	vld [tilespmem:s23+$0xFFFFFEE0]  }
0x1ae: {  	v34 =	vld [tilespmem:s22+$0xFFFFFF10]  }
0x1af: {  	v58 =	vld [tilespmem:s22+$0xFFFFFE40]  }
0x1b0: {  	v59 =	vld [tilespmem:s23+$0xFFFFFE40]  }
0x1b1: {  	v61 =	vld [tilespmem:s22+$0xFFFFFE70]  }
0x1b2: {  	v62 =	vld [tilespmem:s23+$0xFFFFFE70]  }
0x1b3: {  	v63 =	vld [tilespmem:s22+$0xFFFFFEA0]  }
0x1b4: {  	v11 =	vadd.f32 v13, v11;
	v13 =	vld [tilespmem:s23+$0xFFFFFF30]  }
0x1b5: {  	[tilespmem:$0x1FFA0] =	vst v0;
	v0 =	vld [tilespmem:$0x1FFC0]  }
0x1b6: {  	(xrf2) =	vadd.scan.msk.f32 $0xffff, v7;
	v7 =	vld [tilespmem:s22+$0xFFFFFE30]  }
0x1b7: {  	v2 =	vsub.f32 v2, v14;
	v14 =	vld [tilespmem:s21+$0xFFFFFFC0]  }
0x1b8: {  	v12 =	vmul.f32 v10, v12;
	v10 =	vld [tilespmem:s26+$0xFFFFFFF0]  }
0x1b9: {  	v5 =	vmul.f32 v5, v8;
	v8 =	vld [tilespmem:s26+$0xFFFFFF80]  }
0x1ba: {  	v12 =	vadd.f32 $0.0e+00, v12;
	v26 =	vsub.f32 v26, v28;
	v1 =	vmul.f32 v18, v0;
	v0 =	vld [tilespmem:$0x1FFB0]  }
0x1bb: {  	v28 =	vsub.f32 v29, v30;
	v29 =	vsub.f32 v32, v33;
	v30 =	vld [tilespmem:s22+$0xFFFFFE60]  }
0x1bc: {  	v32 =	vsub.f32 v35, v36;
	v33 =	vsub.f32 v37, v38;
	v35 =	vld [tilespmem:s23+$0xFFFFFE60]  }
0x1bd: {  	v36 =	vsub.f32 v39, v40;
	v37 =	vsub.f32 v42, v43;
	v38 =	vld [tilespmem:s22+$0xFFFFFE20]  }
0x1be: {  	v39 =	vsub.f32 v45, v46;
	v42 =	vld [tilespmem:s23+$0xFFFFFE20];
	v5 =	vadd.f32 v5, v12  }
0x1bf: {  	v2 =	vmul.f32 v2, v3;
	v46 =	vld [tilespmem:s22+$0xFFFFFE50];
	v1 =	vadd.f32 v1, v11;
	v9 =	vsub.f32 v0, v9  }
0x1c0: {  	v6, _, _ =	vpop (xrf2);
	v43 =	vsub.f32 v50, v51;
	v51 =	vld [tilespmem:s23+$0xFFFFFE10]  }
0x1c1: {  	v45 =	vsub.f32 v52, v53;
	v53 =	vld [tilespmem:s22+$0xFFFFFE90];
	v3, _, _ =	vpop (xrf2);
	v2 =	vadd.f32 v2, v5;
	(xrf2) =	vadd.scan.msk.f32 $0xffff, v1;
	v5 =	vmul.f32 v9, v14  }
0x1c2: {  	v62 =	vsub.f32 v61, v62;
	v61 =	vld [tilespmem:s26+$0xFFFFFF10]  }
0x1c3: {  	v0 =	vld [tilespmem:s22+$0xFFFFFFC0];
	v1, _, _ =	vpop (xrf2);
	v2 =	vadd.f32 v5, v2  }
0x1c4: {  	v12 =	vld [tilespmem:s26+$0xFFFFFF00];
	(v2sf) =	vpush v1, $0xF  }
0x1c5: {  	v24 =	vmul.f32 v33, v24;
	v33 =	vsub.f32 v58, v59;
	v59 =	vld [tilespmem:s23+$0xFFFFFE50]  }
0x1c6: {  	v58 =	vsub.f32 v55, v56;
	v55 =	vld [tilespmem:s23+$0xFFFFFE90];
	(v2sf) =	vpush v3, $0xF;
	(xrf2) =	vadd.scan.msk.f32 $0xffff, v2  }
0x1c7: {  	v16 =	vmul.f32 v29, v16;
	v18 =	vld [tilespmem:s23+$0x0];
	v24 =	vadd.f32 $0.0e+00, v24;
	v2, _, _ =	vpop (xrf2)  }
0x1c8: {  	[tilespmem:$0x1FFB0] =	vst v0;
	v0 =	vld [tilespmem:s26+$0xFFFFFF40];
	(v2sf) =	vpush v2, $0xF  }
0x1c9: {  	v10 =	vmul.f32 v26, v10;
	v56 =	vmul.f32 v58, v44;
	v58 =	vld [tilespmem:s23+$0xFFFFFEA0];
	v16 =	vadd.f32 v16, v24  }
0x1ca: {  	v11 =	vld [tilespmem:s22+$0xFFFFFF30];
	(v2sf) =	vpush v6, $0xF  }
0x1cb: {  	v10 =	vadd.f32 v10, v16;
	v16 =	vld [tilespmem:$0x1FFA0];
	v3, _, _ =	vpop (xrf2)  }
0x1cc: {  	v1 =	vld [tilespmem:s23+$0xFFFFFED0];
	(v2sf) =	vpush v3, $0xF  }
0x1cd: {  	[tilespmem:$0x1FFC0] =	vst v0;
	v0 =	vld [tilespmem:s22+$0xFFFFFED0]  }
0x1ce: {  	v17 =	vsub.f32 v17, v18;
	v18 =	vld [tilespmem:s23+$0xFFFFFE30];
	(v2sf) =	vpush v4, $0xF  }
0x1cf: {  	v14 =	vld [tilespmem:s26+$0xFFFFFF70]  }
0x1d0: {  	v40 =	vsub.f32 v47, v48;
	v9 =	vld [tilespmem:s26+$0xFFFFFEC0];
	v6, _, _ =	vpop (xrf2)  }
0x1d1: {  	v5 =	vld [tilespmem:s23+$0xFFFFFF40];
	v16 =	vmul.f32 v17, v16;
	(v2sf) =	vpush v6, $0xF  }
0x1d2: {  	v17 =	vld [tilespmem:s26+$0xFFFFFE10];
	v0 =	vsub.f32 v0, v1;
	v1 =	vmul.f32 v40, v41;
	(v2sf) =	vpush v19, $0xF  }
0x1d3: {  	v7 =	vsub.f32 v7, v18;
	v18 =	vld [tilespmem:s26+$0xFFFFFE50];
	s0 =	spop (v2sf)  }
0x1d4: {  	v23 =	vmul.f32 v37, v23;
	v41 =	vld [tilespmem:s22+$0xFFFFFE10];
	v1 =	vadd.f32 $0.0e+00, v1;
	s0 =	sadd.f32 $2.000000030e-01, s0  }
0x1d5: {  	v21 =	vmul.f32 v39, v21;
	v10 =	vadd.f32 v16, v10;
	v16 =	vld [tilespmem:s26+$0xFFFFFE20];
	v0 =	vmul.f32 v0, v54;
	s15 =	spop (v2sf)  }
0x1d6: {  	v14 =	vmul.f32 v32, v14;
	v2 =	vld [tilespmem:s22+$0xFFFFFFB0];
	v54 =	vsub.f32 v46, v59;
	s15 =	sadd.f32 $2.000000030e-01, s15;
	v1 =	vadd.f32 v23, v1;
	s0 =	smax.f32 s0, $0.0e+00  }
0x1d7: {  	v8 =	vmul.f32 v28, v8;
	v30 =	vsub.f32 v30, v35;
	v3 =	vld [tilespmem:s26+$0xFFFFFF30];
	v0 =	vadd.f32 $0.0e+00, v0;
	s0 =	sadd.f32 s0, s24;
	s30 =	spop (v2sf)  }
0x1d8: {  	v52 =	vsub.f32 v38, v42;
	v4 =	vld [tilespmem:s22+$0xFFFFFF40];
	v18 =	vmul.f32 v54, v18;
	s15 =	smax.f32 s15, $0.0e+00;
	v1 =	vadd.f32 v14, v1;
	s24 =	sadd.f32 $2.000000030e-01, s30  }
0x1d9: {  	v12 =	vmul.f32 v36, v12;
	v6 =	vld [tilespmem:s22+$0xFFFFFFA0];
	v14 =	vsub.f32 v41, v51;
	v0 =	vadd.f32 v56, v0;
	s0 =	sadd.f32 s15, s0;
	s31 =	spop (v2sf)  }
0x1da: {  	(xrf2) =	vadd.scan.msk.f32 $0xffff, v10;
	v59 =	vld [tilespmem:s26+$0xFFFFFE90];
	v10 =	vadd.f32 $0.0e+00, v18;
	v18 =	vmul.f32 v30, v60;
	v1 =	vadd.f32 v8, v1;
	s15 =	sadd.f32 $2.000000030e-01, s31;
	s24 =	smax.f32 s24, $0.0e+00  }
0x1db: {  	v13 =	vsub.f32 v11, v13;
	v7 =	vmul.f32 v7, v57;
	v19 =	vld [tilespmem:s26+$0xFFFFFEB0];
	v8 =	vmul.f32 v14, v17;
	s28 =	spop (v2sf);
	s0 =	sadd.f32 s24, s0  }
0x1dc: {  	v0 =	vadd.f32 v21, v0;
	v14 =	vld [tilespmem:s23+$0xFFFFFF10];
	v10 =	vadd.f32 v18, v10;
	v17 =	vmul.f32 v62, v49;
	(xrf2) =	vadd.scan.msk.f32 $0xffff, v1;
	s15 =	smax.f32 s15, $0.0e+00;
	s24 =	sadd.f32 $2.000000030e-01, s28  }
0x1dd: {  	v60 =	vld [tilespmem:s26+$0xFFFFFEA0];
	v18 =	vsub.f32 v53, v55;
	v1 =	vadd.f32 $0.0e+00, v8;
	v8 =	vmul.f32 v52, v16;
	s29 =	spop (v2sf);
	s0 =	sadd.f32 s15, s0  }
0x1de: {  	v0 =	vadd.f32 v12, v0;
	v12 =	vld [tilespmem:s23+$0xFFFFFF20];
	v10 =	vadd.f32 v17, v10;
	v16 =	vmul.f32 v43, v27;
	s24 =	smax.f32 s24, $0.0e+00;
	s15 =	sadd.f32 $2.000000030e-01, s29  }
0x1df: {  	s25 =	sadd.s32 $0x8, s25;
	v17 =	vsub.f32 v63, v58;
	v1 =	vadd.f32 v8, v1;
	v8 =	vmul.f32 v18, v59;
	v18 =	vld [tilespmem:s23+$0xFFFFFF90];
	s0 =	sadd.f32 s24, s0  }
0x1e0: {  	p1 =	slt.u32 s25, $0x78;
	v13 =	vmul.f32 v13, v3;
	v63 =	vld [tilespmem:s23+$0xFFFFFFA0];
	v10 =	vadd.f32 v16, v10;
	v16 =	vsub.f32 v20, v22;
	s30 =	spop (v2sf);
	s15 =	smax.f32 s15, $0.0e+00  }
0x1e1: {  	s21 =	smov.u32 s26;
	v62 =	vld [tilespmem:s26+$0xFFFFFF20];
	(xrf2) =	vadd.scan.msk.f32 $0xffff, v0;
	v0 =	vmul.f32 v33, v31;
	v14 =	vsub.f32 v34, v14;
	v1 =	vadd.f32 v7, v1;
	s24 =	sadd.f32 $2.000000030e-01, s30;
	s31 =	spop (v2sf)  }
.Ltmp1:
0x1e2: {  	v3 =	vld [tilespmem:s21+$0xFFFFFFB0];
	v7 =	vadd.f32 $0.0e+00, v8;
	v8 =	vmul.f32 v17, v60;
	v17 =	vmul.f32 v45, v19;
	s0 =	sadd.f32 s15, s0;
	(pc) =	sbr.rel @p1 .LBB2_4-.Ltmp1, $4  }
0x1e3: {  	v16 =	vmul.f32 v16, v9;
	v9 =	vld [tilespmem:s23+$0xFFFFFFC0];
	v20 =	vsub.f32 v25, v12;
	v0 =	vadd.f32 v0, v1;
	s15 =	sadd.f32 $2.000000030e-01, s31;
	s24 =	smax.f32 s24, $0.0e+00  }
0x1e4: {  	(xrf2) =	vadd.scan.msk.f32 $0xffff, v10;
	v12 =	vld [tilespmem:s26+$0xFFFFFF90];
	v1 =	vadd.f32 v8, v7;
	v7 =	vmul.f32 v14, v61;
	v10 =	vsub.f32 v15, v18;
	s0 =	sadd.f32 s24, s0  }
0x1e5: {  	v19, _, _ =	vpop (xrf2);
	v14 =	vld [tilespmem:s23+$0xFFFFFFB0];
	v18 =	vsub.f32 v4, v5;
	v5 =	vsub.f32 v6, v63;
	s15 =	smax.f32 s15, $0.0e+00  }
0x1e6: {  	v8 =	vld [tilespmem:s26+$0xFFFFFFA0];
	s26 =	sadd.s32 $0x200, s26;
	v11 =	vadd.f32 v17, v1;
	v15 =	vadd.f32 $0.0e+00, v7;
	v17 =	vmul.f32 v20, v62;
	(xrf2) =	vadd.scan.msk.f32 $0xffff, v0;
	v4, _, _ =	vpop (xrf2);
	s24 =	sadd.f32 s15, s0  }
0x1e7: {  	_ =	sdelay $0x2  }
0x1e8: {  	v0 =	vmul.f32 v10, v12;
	v10 =	vld [tilespmem:$0x1FFB0]  }
0x1e9: {  	v5 =	vmul.f32 v5, v8;
	v8 =	vld [tilespmem:$0x1FFC0];
	_ =	sdelay $0x1  }
0x1ea: {  	v6 =	vld [tilespmem:s21+$0xFFFFFFC0];
	v1 =	vadd.f32 v17, v15;
	v2 =	vsub.f32 v2, v14  }
0x1eb: {  	v0 =	vadd.f32 $0.0e+00, v0  }
0x1ec: {  	v7 =	vadd.f32 v16, v11;
	v1 =	vadd.f32 v13, v1;
	v2 =	vmul.f32 v2, v3  }
0x1ed: {  	v0 =	vadd.f32 v5, v0;
	v9 =	vsub.f32 v10, v9;
	v8 =	vmul.f32 v18, v8;
	_ =	sdelay $0x1  }
0x1ee: {  	(xrf2) =	vadd.scan.msk.f32 $0xffff, v7;
	v0 =	vadd.f32 v2, v0;
	v2 =	vmul.f32 v9, v6;
	v1 =	vadd.f32 v8, v1;
	_ =	sdelay $0x1  }
0x1ef: {  	v0 =	vadd.f32 v2, v0;
	(xrf2) =	vadd.scan.msk.f32 $0xffff, v1;
	_ =	sdelay $0x1  }
0x1f0: {  	(xrf2) =	vadd.scan.msk.f32 $0xffff, v0;
	_ =	sdelay $0x1  }
0x1f1: {  	v0, _, _ =	vpop (xrf2)  }
0x1f2: {  	v1, _, _ =	vpop (xrf2)  }
0x1f3: {  	v2, _, _ =	vpop (xrf2)  }
0x1f4: {  	(v2sf) =	vpush v2, $0xF  }
0x1f5: {  	(v2sf) =	vpush v1, $0xF;
	v1, _, _ =	vpop (xrf2)  }
0x1f6: {  	(v2sf) =	vpush v1, $0xF  }
0x1f7: {  	(v2sf) =	vpush v0, $0xF;
	v0, _, _ =	vpop (xrf2)  }
0x1f8: {  	(v2sf) =	vpush v0, $0xF  }
0x1f9: {  	v0, _, _ =	vpop (xrf2);
	(v2sf) =	vpush v4, $0xF  }
0x1fa: {  	(v2sf) =	vpush v0, $0xF  }
0x1fb: {  	(v2sf) =	vpush v19, $0xF;
	_ =	sdelay $0x7  }
0x1fc: {  	s15 =	spop (v2sf)  }
0x1fd: {  	s0 =	spop (v2sf)  }
0x1fe: {  	s31 =	spop (v2sf)  }
0x1ff: {  	s30 =	spop (v2sf)  }
0x200: {  	s29 =	spop (v2sf)  }
0x201: {  	s28 =	spop (v2sf)  }
0x202: {  	s26 =	spop (v2sf)  }
0x203: {  	s25 =	spop (v2sf)  }
0x204: {  	_ =	swait.ge [sflag:s13], $0x1000  }
0x205: {  	[sflag:s13] =	ssyncset.done $0x0  }
0x206: {  	[sflag:s13] =	ssyncadd.s32 $0xFFFFF000  }
0x207: {  	_ =	swait.ge [sflag:s13], $0x1000  }
0x208: {  	[sflag:s13] =	ssyncset.done $0x0  }
0x209: {  	[sflag:s13] =	ssyncadd.s32 $0xFFFFF000  }
0x20a: {  	_ =	swait.ge [sflag:s13], $0x1000  }
0x20b: {  	[sflag:s13] =	ssyncset.done $0x0  }
0x20c: {  	s22 =	simm.s32 $0xA4F0;
	[sflag:s13] =	ssyncadd.s32 $0xFFFFF000  }
0x20d: {  	s21 =	simm.s32 $0x24F0;
	v0 =	vld [tilespmem:s22+$0xFFFFFFC0]  }
0x20e: {  	v15 =	vld [tilespmem:s21+$0x0]  }
0x20f: {  	v16 =	vld [tilespmem:s21+$0xFFFFFFF0]  }
0x210: {  	s23 =	simm.s32 $0x64F0;
	v17 =	vld [tilespmem:s22+$0x0]  }
0x211: {  	v18 =	vld [tilespmem:s23+$0x0]  }
0x212: {  	v19 =	vld [tilespmem:s21+$0xFFFFFF80];
	[tilespmem:$0x1FF80] =	vst v0  }
0x213: {  	v0 =	vld [tilespmem:s21+$0xFFFFFF40];
	_ =	sdelay $0x2  }
0x214: {  	v20 =	vld [tilespmem:s21+$0xFFFFFFE0]  }
0x215: {  	v21 =	vld [tilespmem:s22+$0xFFFFFFF0]  }
0x216: {  	v22 =	vld [tilespmem:s23+$0xFFFFFFF0];
	[tilespmem:$0x1FF90] =	vst v0  }
0x217: {  	v23 =	vld [tilespmem:s21+$0xFFFFFF70]  }
0x218: {  	v24 =	vld [tilespmem:s22+$0xFFFFFF80]  }
0x219: {  	v25 =	vld [tilespmem:s23+$0xFFFFFF80]  }
0x21a: {  	v2 =	vld [tilespmem:s22+$0xFFFFFFB0]  }
0x21b: {  	v26 =	vld [tilespmem:s21+$0xFFFFFFD0]  }
0x21c: {  	v27 =	vld [tilespmem:s22+$0xFFFFFFE0]  }
0x21d: {  	v28 =	vld [tilespmem:s23+$0xFFFFFFE0]  }
0x21e: {  	v29 =	vld [tilespmem:s21+$0xFFFFFF00]  }
0x21f: {  	v5 =	vld [tilespmem:s21+$0xFFFFFF30]  }
0x220: {  	v1 =	vld [tilespmem:s22+$0xFFFFFF40]  }
0x221: {  	v7 =	vld [tilespmem:s23+$0xFFFFFF40]  }
0x222: {  	v30 =	vld [tilespmem:s21+$0xFFFFFF60]  }
0x223: {  	v31 =	vld [tilespmem:s22+$0xFFFFFF70]  }
0x224: {  	v32 =	vld [tilespmem:s23+$0xFFFFFF70]  }
0x225: {  	v6 =	vld [tilespmem:s22+$0xFFFFFFA0]  }
0x226: {  	v33 =	vld [tilespmem:s22+$0xFFFFFFD0]  }
0x227: {  	v34 =	vld [tilespmem:s23+$0xFFFFFFD0]  }
0x228: {  	v0 =	vld [tilespmem:s21+$0xFFFFFEC0]  }
0x229: {  	v35 =	vld [tilespmem:s21+$0xFFFFFEF0]  }
0x22a: {  	v36 =	vld [tilespmem:s22+$0xFFFFFF00]  }
0x22b: {  	v37 =	vld [tilespmem:s23+$0xFFFFFF00]  }
0x22c: {  	v8 =	vld [tilespmem:s22+$0xFFFFFF30]  }
0x22d: {  	v9 =	vld [tilespmem:s23+$0xFFFFFF30]  }
0x22e: {  	v38 =	vld [tilespmem:s21+$0xFFFFFF50]  }
0x22f: {  	v39 =	vld [tilespmem:s22+$0xFFFFFF60]  }
0x230: {  	v40 =	vld [tilespmem:s23+$0xFFFFFF60]  }
0x231: {  	v10 =	vld [tilespmem:s22+$0xFFFFFF90]  }
0x232: {  	v41 =	vld [tilespmem:s21+$0xFFFFFE80]  }
0x233: {  	v11 =	vld [tilespmem:s21+$0xFFFFFEB0]  }
0x234: {  	v12 =	vld [tilespmem:s22+$0xFFFFFEC0]  }
0x235: {  	v13 =	vld [tilespmem:s23+$0xFFFFFEC0]  }
0x236: {  	v42 =	vld [tilespmem:s21+$0xFFFFFEE0]  }
0x237: {  	v43 =	vld [tilespmem:s22+$0xFFFFFEF0]  }
0x238: {  	v44 =	vld [tilespmem:s23+$0xFFFFFEF0]  }
0x239: {  	v14 =	vld [tilespmem:s22+$0xFFFFFF20]  }
0x23a: {  	v45 =	vld [tilespmem:s22+$0xFFFFFF50]  }
0x23b: {  	v46 =	vld [tilespmem:s23+$0xFFFFFF50]  }
0x23c: {  	v48 =	vld [tilespmem:s21+$0xFFFFFE70]  }
0x23d: {  	v49 =	vld [tilespmem:s22+$0xFFFFFE80]  }
0x23e: {  	v50 =	vld [tilespmem:s23+$0xFFFFFE80]  }
0x23f: {  	v51 =	vld [tilespmem:s22+$0xFFFFFEB0]  }
0x240: {  	v52 =	vld [tilespmem:s23+$0xFFFFFEB0]  }
0x241: {  	v53 =	vld [tilespmem:s21+$0xFFFFFED0]  }
0x242: {  	v54 =	vld [tilespmem:s22+$0xFFFFFEE0]  }
0x243: {  	v55 =	vld [tilespmem:s23+$0xFFFFFEE0]  }
0x244: {  	v56 =	vld [tilespmem:s22+$0xFFFFFF10]  }
0x245: {  	v58 =	vld [tilespmem:s22+$0xFFFFFE40]  }
0x246: {  	v59 =	vld [tilespmem:s23+$0xFFFFFE40]  }
0x247: {  	v60 =	vld [tilespmem:s21+$0xFFFFFE60]  }
0x248: {  	v61 =	vld [tilespmem:s22+$0xFFFFFE70]  }
0x249: {  	v62 =	vld [tilespmem:s23+$0xFFFFFE70]  }
0x24a: {  	v63 =	vld [tilespmem:s22+$0xFFFFFEA0]  }
0x24b: {  	v4 =	vld [tilespmem:s22+$0xFFFFFED0]  }
0x24c: {  	v17 =	vsub.f32 v17, v18;
	v3 =	vld [tilespmem:s23+$0xFFFFFED0]  }
0x24d: {  	v18 =	vld [tilespmem:s22+$0xFFFFFE30]  }
0x24e: {  	v15 =	vmul.f32 v17, v15;
	v21 =	vsub.f32 v21, v22;
	v17 =	vld [tilespmem:s22+$0xFFFFFE90]  }
0x24f: {  	v22 =	vsub.f32 v24, v25;
	v24 =	vsub.f32 v27, v28;
	v25 =	vld [tilespmem:s23+$0xFFFFFE30]  }
0x250: {  	v27 =	vsub.f32 v31, v32;
	v28 =	vsub.f32 v33, v34;
	v31 =	vld [tilespmem:s22+$0xFFFFFE60]  }
0x251: {  	v32 =	vsub.f32 v36, v37;
	v33 =	vsub.f32 v39, v40;
	v34 =	vld [tilespmem:s23+$0xFFFFFE60]  }
0x252: {  	v36 =	vsub.f32 v43, v44;
	v37 =	vsub.f32 v45, v46;
	v39 =	vld [tilespmem:s22+$0xFFFFFE20]  }
0x253: {  	v43 =	vsub.f32 v51, v52;
	v52 =	vsub.f32 v54, v55;
	v54 =	vld [tilespmem:s22+$0xFFFFFE50]  }
0x254: {  	v44 =	vsub.f32 v58, v59;
	v58 =	vld [tilespmem:s23+$0xFFFFFE50];
	v26 =	vmul.f32 v28, v26  }
0x255: {  	v3 =	vsub.f32 v4, v3;
	v59 =	vld [tilespmem:s21+$0xFFFFFE50];
	v4 =	vmul.f32 v37, v38  }
0x256: {  	v28 =	vld [tilespmem:s23+$0xFFFFFE20];
	v20 =	vmul.f32 v24, v20;
	v26 =	vadd.f32 $0.0e+00, v26  }
0x257: {  	v16 =	vmul.f32 v21, v16;
	v55 =	vsub.f32 v61, v62;
	v61 =	vld [tilespmem:s22+$0xFFFFFE10];
	v4 =	vadd.f32 $0.0e+00, v4  }
0x258: {  	v46 =	vld [tilespmem:s23+$0xFFFFFEA0];
	v31 =	vsub.f32 v31, v34;
	v34 =	vmul.f32 v33, v30;
	v20 =	vadd.f32 v20, v26  }
0x259: {  	v40 =	vsub.f32 v49, v50;
	v13 =	vsub.f32 v12, v13;
	v37 =	vld [tilespmem:s23+$0xFFFFFE10];
	v3 =	vmul.f32 v3, v53  }
0x25a: {  	s15 =	sadd.f32 $2.000000030e-01, s15;
	v23 =	vmul.f32 v27, v23;
	v38 =	vld [tilespmem:s21+$0xFFFFFE10];
	v4 =	vadd.f32 v34, v4;
	v16 =	vadd.f32 v16, v20  }
0x25b: {  	v19 =	vmul.f32 v22, v19;
	v62 =	vsub.f32 v39, v28;
	v39 =	vmul.f32 v52, v42;
	v42 =	vld [tilespmem:s21+$0xFFFFFE20]  }
0x25c: {  	s0 =	sadd.f32 $2.000000030e-01, s0;
	s15 =	smax.f32 s15, $0.0e+00;
	v45 =	vmul.f32 v36, v35;
	v4 =	vadd.f32 v23, v4;
	v15 =	vadd.f32 v15, v16;
	v16 =	vld [tilespmem:s23+$0xFFFFFE90]  }
0x25d: {  	s15 =	sadd.f32 s15, s24;
	v51 =	vmul.f32 v32, v29;
	v3 =	vadd.f32 $0.0e+00, v3;
	v52 =	vld [tilespmem:s23+$0xFFFFFF10];
	v20 =	vsub.f32 v54, v58  }
0x25e: {  	s31 =	sadd.f32 $2.000000030e-01, s31;
	s0 =	smax.f32 s0, $0.0e+00;
	v53 =	vmul.f32 v55, v48;
	v21 =	vsub.f32 v61, v37;
	v4 =	vadd.f32 v19, v4;
	v19 =	vld [tilespmem:s21+$0xFFFFFE90]  }
0x25f: {  	s0 =	sadd.f32 s0, s15;
	v57 =	vld [tilespmem:s21+$0xFFFFFE30];
	v55 =	vmul.f32 v40, v41;
	v18 =	vsub.f32 v18, v25;
	v20 =	vmul.f32 v20, v59;
	(xrf2) =	vadd.scan.msk.f32 $0xffff, v15  }
0x260: {  	s24 =	smax.f32 s31, $0.0e+00;
	s31 =	sadd.f32 $2.000000030e-01, s30;
	v58 =	vsub.f32 v63, v46;
	v3 =	vadd.f32 v39, v3;
	v15 =	vmul.f32 v21, v38;
	(xrf2) =	vadd.scan.msk.f32 $0xffff, v4;
	v4 =	vld [tilespmem:s21+$0xFFFFFEA0]  }
0x261: {  	s0 =	sadd.f32 s24, s0;
	v47 =	vld [tilespmem:s21+$0xFFFFFE40];
	v50 =	vmul.f32 v31, v60;
	v20 =	vadd.f32 $0.0e+00, v20;
	v16 =	vsub.f32 v17, v16  }
0x262: {  	s29 =	sadd.f32 $2.000000030e-01, s29;
	s24 =	smax.f32 s31, $0.0e+00;
	v54 =	vld [tilespmem:s23+$0xFFFFFF20];
	v3 =	vadd.f32 v45, v3;
	v15 =	vadd.f32 $0.0e+00, v15;
	v17 =	vmul.f32 v62, v42  }
0x263: {  	s0 =	sadd.f32 s24, s0;
	v59 =	vld [tilespmem:s21+$0xFFFFFF10];
	v60 =	vsub.f32 v56, v52;
	v20 =	vadd.f32 v50, v20;
	v16 =	vmul.f32 v16, v19  }
0x264: {  	s31 =	sadd.f32 $2.000000030e-01, s28;
	s30 =	smax.f32 s29, $0.0e+00;
	v3 =	vadd.f32 v51, v3;
	v62 =	vld [tilespmem:s23+$0xFFFFFFA0];
	v15 =	vadd.f32 v17, v15;
	v17 =	vmul.f32 v18, v57  }
0x265: {  	s0 =	sadd.f32 s30, s0;
	v20 =	vadd.f32 v53, v20;
	v18 =	vld [tilespmem:s23+$0xFFFFFF90];
	v4 =	vmul.f32 v58, v4;
	v16 =	vadd.f32 $0.0e+00, v16  }
0x266: {  	s28 =	sadd.f32 $2.000000030e-01, s26;
	s24 =	smax.f32 s31, $0.0e+00;
	v61 =	vld [tilespmem:s21+$0xFFFFFF20];
	(xrf2) =	vadd.scan.msk.f32 $0xffff, v3;
	v3 =	vsub.f32 v8, v9;
	v19 =	vmul.f32 v44, v47;
	v15 =	vadd.f32 v17, v15  }
0x267: {  	s0 =	sadd.f32 s24, s0;
	v12 =	vld [tilespmem:s21+$0xFFFFFF90];
	v11 =	vmul.f32 v43, v11;
	v20 =	vadd.f32 v55, v20;
	v4 =	vadd.f32 v4, v16  }
0x268: {  	s29 =	smax.f32 s28, $0.0e+00;
	s30 =	sadd.f32 $2.000000030e-01, s25;
	v8 =	vld [tilespmem:s21+$0xFFFFFFA0];
	v17 =	vsub.f32 v14, v54;
	v63 =	vadd.f32 v19, v15;
	v15 =	vmul.f32 v60, v59  }
0x269: {  	s0 =	sadd.f32 s29, s0;
	v9 =	vld [tilespmem:s23+$0xFFFFFFC0];
	v16 =	vmul.f32 v13, v0;
	v13 =	vmul.f32 v3, v5;
	v5 =	vsub.f32 v6, v62  }
0x26a: {  	s31 =	smax.f32 s30, $0.0e+00;
	v14 =	vld [tilespmem:s23+$0xFFFFFFB0];
	(xrf2) =	vadd.scan.msk.f32 $0xffff, v20;
	v10 =	vsub.f32 v10, v18;
	v19, _, _ =	vpop (xrf2);
	v18 =	vsub.f32 v1, v7  }
0x26b: {  	s26 =	simm.s32 $0x26F0;
	s25 =	simm.s32 $0x80;
	s24 =	sadd.f32 s31, s0;
	v17 =	vmul.f32 v17, v61;
	v3 =	vld [tilespmem:s21+$0xFFFFFFB0];
	v11 =	vadd.f32 v11, v4;
	v15 =	vadd.f32 $0.0e+00, v15;
	(xrf2) =	vadd.scan.msk.f32 $0xffff, v63;
	v4, _, _ =	vpop (xrf2)  }
.LBB2_6:
0x26c: {  	v0 =	vld [tilespmem:s26+$0x0]  }
0x26d: {  	v24 =	vld [tilespmem:s26+$0xFFFFFFD0]  }
0x26e: {  	v23 =	vld [tilespmem:s26+$0xFFFFFF60]  }
0x26f: {  	v21 =	vld [tilespmem:s26+$0xFFFFFEF0]  }
0x270: {  	v41 =	vld [tilespmem:s26+$0xFFFFFF50]  }
0x271: {  	v27 =	vld [tilespmem:s26+$0xFFFFFE80]  }
0x272: {  	v44 =	vld [tilespmem:s26+$0xFFFFFEE0]  }
0x273: {  	v31 =	vld [tilespmem:s26+$0xFFFFFE40]  }
0x274: {  	v49 =	vld [tilespmem:s26+$0xFFFFFE70]  }
0x275: {  	v54 =	vld [tilespmem:s26+$0xFFFFFED0]  }
0x276: {  	v57 =	vld [tilespmem:s26+$0xFFFFFE30]  }
0x277: {  	s22 =	sadd.s32 $0x200, s22;
	v60 =	vld [tilespmem:s26+$0xFFFFFE60]  }
0x278: {  	v7 =	vadd.f32 v16, v11;
	v11 =	vadd.f32 v17, v15;
	v17 =	vld [tilespmem:s22+$0x0]  }
0x279: {  	v16 =	vld [tilespmem:s26+$0xFFFFFFE0]  }
0x27a: {  	s23 =	sadd.s32 $0x200, s23;
	v26 =	vld [tilespmem:s22+$0xFFFFFFF0]  }
0x27b: {  	v28 =	vld [tilespmem:s23+$0xFFFFFFF0]  }
0x27c: {  	v29 =	vld [tilespmem:s22+$0xFFFFFF80]  }
0x27d: {  	v30 =	vld [tilespmem:s23+$0xFFFFFF80]  }
0x27e: {  	v32 =	vld [tilespmem:s22+$0xFFFFFFE0]  }
0x27f: {  	v33 =	vld [tilespmem:s23+$0xFFFFFFE0]  }
0x280: {  	v35 =	vld [tilespmem:s22+$0xFFFFFF70]  }
0x281: {  	v36 =	vld [tilespmem:s23+$0xFFFFFF70]  }
0x282: {  	v37 =	vld [tilespmem:s22+$0xFFFFFFD0]  }
0x283: {  	v38 =	vld [tilespmem:s23+$0xFFFFFFD0]  }
0x284: {  	v39 =	vld [tilespmem:s22+$0xFFFFFF00]  }
0x285: {  	v40 =	vld [tilespmem:s23+$0xFFFFFF00]  }
0x286: {  	v42 =	vld [tilespmem:s22+$0xFFFFFF60]  }
0x287: {  	v43 =	vld [tilespmem:s23+$0xFFFFFF60]  }
0x288: {  	v15 =	vld [tilespmem:s22+$0xFFFFFF90]  }
0x289: {  	v20 =	vld [tilespmem:s22+$0xFFFFFEC0]  }
0x28a: {  	v22 =	vld [tilespmem:s23+$0xFFFFFEC0]  }
0x28b: {  	v45 =	vld [tilespmem:s22+$0xFFFFFEF0]  }
0x28c: {  	v46 =	vld [tilespmem:s23+$0xFFFFFEF0]  }
0x28d: {  	v25 =	vld [tilespmem:s22+$0xFFFFFF20]  }
0x28e: {  	v47 =	vld [tilespmem:s22+$0xFFFFFF50]  }
0x28f: {  	v48 =	vld [tilespmem:s23+$0xFFFFFF50]  }
0x290: {  	v50 =	vld [tilespmem:s22+$0xFFFFFE80]  }
0x291: {  	v51 =	vld [tilespmem:s23+$0xFFFFFE80]  }
0x292: {  	v52 =	vld [tilespmem:s22+$0xFFFFFEB0]  }
0x293: {  	v53 =	vld [tilespmem:s23+$0xFFFFFEB0]  }
0x294: {  	v55 =	vld [tilespmem:s22+$0xFFFFFEE0]  }
0x295: {  	v56 =	vld [tilespmem:s23+$0xFFFFFEE0]  }
0x296: {  	v34 =	vld [tilespmem:s22+$0xFFFFFF10]  }
0x297: {  	v58 =	vld [tilespmem:s22+$0xFFFFFE40]  }
0x298: {  	v59 =	vld [tilespmem:s23+$0xFFFFFE40]  }
0x299: {  	v61 =	vld [tilespmem:s22+$0xFFFFFE70]  }
0x29a: {  	v62 =	vld [tilespmem:s23+$0xFFFFFE70]  }
0x29b: {  	v63 =	vld [tilespmem:s22+$0xFFFFFEA0]  }
0x29c: {  	v11 =	vadd.f32 v13, v11;
	v13 =	vld [tilespmem:s23+$0xFFFFFF30]  }
0x29d: {  	[tilespmem:$0x1FF70] =	vst v0;
	v0 =	vld [tilespmem:$0x1FF90]  }
0x29e: {  	(xrf2) =	vadd.scan.msk.f32 $0xffff, v7;
	v7 =	vld [tilespmem:s22+$0xFFFFFE30]  }
0x29f: {  	v2 =	vsub.f32 v2, v14;
	v14 =	vld [tilespmem:s21+$0xFFFFFFC0]  }
0x2a0: {  	v12 =	vmul.f32 v10, v12;
	v10 =	vld [tilespmem:s26+$0xFFFFFFF0]  }
0x2a1: {  	v5 =	vmul.f32 v5, v8;
	v8 =	vld [tilespmem:s26+$0xFFFFFF80]  }
0x2a2: {  	v12 =	vadd.f32 $0.0e+00, v12;
	v26 =	vsub.f32 v26, v28;
	v1 =	vmul.f32 v18, v0;
	v0 =	vld [tilespmem:$0x1FF80]  }
0x2a3: {  	v28 =	vsub.f32 v29, v30;
	v29 =	vsub.f32 v32, v33;
	v30 =	vld [tilespmem:s22+$0xFFFFFE60]  }
0x2a4: {  	v32 =	vsub.f32 v35, v36;
	v33 =	vsub.f32 v37, v38;
	v35 =	vld [tilespmem:s23+$0xFFFFFE60]  }
0x2a5: {  	v36 =	vsub.f32 v39, v40;
	v37 =	vsub.f32 v42, v43;
	v38 =	vld [tilespmem:s22+$0xFFFFFE20]  }
0x2a6: {  	v39 =	vsub.f32 v45, v46;
	v42 =	vld [tilespmem:s23+$0xFFFFFE20];
	v5 =	vadd.f32 v5, v12  }
0x2a7: {  	v2 =	vmul.f32 v2, v3;
	v46 =	vld [tilespmem:s22+$0xFFFFFE50];
	v1 =	vadd.f32 v1, v11;
	v9 =	vsub.f32 v0, v9  }
0x2a8: {  	v6, _, _ =	vpop (xrf2);
	v43 =	vsub.f32 v50, v51;
	v51 =	vld [tilespmem:s23+$0xFFFFFE10]  }
0x2a9: {  	v45 =	vsub.f32 v52, v53;
	v53 =	vld [tilespmem:s22+$0xFFFFFE90];
	v3, _, _ =	vpop (xrf2);
	v2 =	vadd.f32 v2, v5;
	(xrf2) =	vadd.scan.msk.f32 $0xffff, v1;
	v5 =	vmul.f32 v9, v14  }
0x2aa: {  	v62 =	vsub.f32 v61, v62;
	v61 =	vld [tilespmem:s26+$0xFFFFFF10]  }
0x2ab: {  	v0 =	vld [tilespmem:s22+$0xFFFFFFC0];
	v1, _, _ =	vpop (xrf2);
	v2 =	vadd.f32 v5, v2  }
0x2ac: {  	v12 =	vld [tilespmem:s26+$0xFFFFFF00];
	(v2sf) =	vpush v1, $0xF  }
0x2ad: {  	v24 =	vmul.f32 v33, v24;
	v33 =	vsub.f32 v58, v59;
	v59 =	vld [tilespmem:s23+$0xFFFFFE50]  }
0x2ae: {  	v58 =	vsub.f32 v55, v56;
	v55 =	vld [tilespmem:s23+$0xFFFFFE90];
	(v2sf) =	vpush v3, $0xF;
	(xrf2) =	vadd.scan.msk.f32 $0xffff, v2  }
0x2af: {  	v16 =	vmul.f32 v29, v16;
	v18 =	vld [tilespmem:s23+$0x0];
	v24 =	vadd.f32 $0.0e+00, v24;
	v2, _, _ =	vpop (xrf2)  }
0x2b0: {  	[tilespmem:$0x1FF80] =	vst v0;
	v0 =	vld [tilespmem:s26+$0xFFFFFF40];
	(v2sf) =	vpush v2, $0xF  }
0x2b1: {  	v10 =	vmul.f32 v26, v10;
	v56 =	vmul.f32 v58, v44;
	v58 =	vld [tilespmem:s23+$0xFFFFFEA0];
	v16 =	vadd.f32 v16, v24  }
0x2b2: {  	v11 =	vld [tilespmem:s22+$0xFFFFFF30];
	(v2sf) =	vpush v6, $0xF  }
0x2b3: {  	v10 =	vadd.f32 v10, v16;
	v16 =	vld [tilespmem:$0x1FF70];
	v3, _, _ =	vpop (xrf2)  }
0x2b4: {  	v1 =	vld [tilespmem:s23+$0xFFFFFED0];
	(v2sf) =	vpush v3, $0xF  }
0x2b5: {  	[tilespmem:$0x1FF90] =	vst v0;
	v0 =	vld [tilespmem:s22+$0xFFFFFED0]  }
0x2b6: {  	v17 =	vsub.f32 v17, v18;
	v18 =	vld [tilespmem:s23+$0xFFFFFE30];
	(v2sf) =	vpush v4, $0xF  }
0x2b7: {  	v14 =	vld [tilespmem:s26+$0xFFFFFF70]  }
0x2b8: {  	v40 =	vsub.f32 v47, v48;
	v9 =	vld [tilespmem:s26+$0xFFFFFEC0];
	v6, _, _ =	vpop (xrf2)  }
0x2b9: {  	v5 =	vld [tilespmem:s23+$0xFFFFFF40];
	v16 =	vmul.f32 v17, v16;
	(v2sf) =	vpush v6, $0xF  }
0x2ba: {  	v17 =	vld [tilespmem:s26+$0xFFFFFE10];
	v0 =	vsub.f32 v0, v1;
	v1 =	vmul.f32 v40, v41;
	(v2sf) =	vpush v19, $0xF  }
0x2bb: {  	v7 =	vsub.f32 v7, v18;
	v18 =	vld [tilespmem:s26+$0xFFFFFE50];
	s0 =	spop (v2sf)  }
0x2bc: {  	v23 =	vmul.f32 v37, v23;
	v41 =	vld [tilespmem:s22+$0xFFFFFE10];
	v1 =	vadd.f32 $0.0e+00, v1;
	s0 =	sadd.f32 $2.000000030e-01, s0  }
0x2bd: {  	v21 =	vmul.f32 v39, v21;
	v10 =	vadd.f32 v16, v10;
	v16 =	vld [tilespmem:s26+$0xFFFFFE20];
	v0 =	vmul.f32 v0, v54;
	s15 =	spop (v2sf)  }
0x2be: {  	v14 =	vmul.f32 v32, v14;
	v2 =	vld [tilespmem:s22+$0xFFFFFFB0];
	v54 =	vsub.f32 v46, v59;
	s15 =	sadd.f32 $2.000000030e-01, s15;
	v1 =	vadd.f32 v23, v1;
	s0 =	smax.f32 s0, $0.0e+00  }
0x2bf: {  	v8 =	vmul.f32 v28, v8;
	v30 =	vsub.f32 v30, v35;
	v3 =	vld [tilespmem:s26+$0xFFFFFF30];
	v0 =	vadd.f32 $0.0e+00, v0;
	s0 =	sadd.f32 s0, s24;
	s30 =	spop (v2sf)  }
0x2c0: {  	v52 =	vsub.f32 v38, v42;
	v4 =	vld [tilespmem:s22+$0xFFFFFF40];
	v18 =	vmul.f32 v54, v18;
	s15 =	smax.f32 s15, $0.0e+00;
	v1 =	vadd.f32 v14, v1;
	s24 =	sadd.f32 $2.000000030e-01, s30  }
0x2c1: {  	v12 =	vmul.f32 v36, v12;
	v6 =	vld [tilespmem:s22+$0xFFFFFFA0];
	v14 =	vsub.f32 v41, v51;
	v0 =	vadd.f32 v56, v0;
	s0 =	sadd.f32 s15, s0;
	s31 =	spop (v2sf)  }
0x2c2: {  	(xrf2) =	vadd.scan.msk.f32 $0xffff, v10;
	v59 =	vld [tilespmem:s26+$0xFFFFFE90];
	v10 =	vadd.f32 $0.0e+00, v18;
	v18 =	vmul.f32 v30, v60;
	v1 =	vadd.f32 v8, v1;
	s15 =	sadd.f32 $2.000000030e-01, s31;
	s24 =	smax.f32 s24, $0.0e+00  }
0x2c3: {  	v13 =	vsub.f32 v11, v13;
	v7 =	vmul.f32 v7, v57;
	v19 =	vld [tilespmem:s26+$0xFFFFFEB0];
	v8 =	vmul.f32 v14, v17;
	s28 =	spop (v2sf);
	s0 =	sadd.f32 s24, s0  }
0x2c4: {  	v0 =	vadd.f32 v21, v0;
	v14 =	vld [tilespmem:s23+$0xFFFFFF10];
	v10 =	vadd.f32 v18, v10;
	v17 =	vmul.f32 v62, v49;
	(xrf2) =	vadd.scan.msk.f32 $0xffff, v1;
	s15 =	smax.f32 s15, $0.0e+00;
	s24 =	sadd.f32 $2.000000030e-01, s28  }
0x2c5: {  	v60 =	vld [tilespmem:s26+$0xFFFFFEA0];
	v18 =	vsub.f32 v53, v55;
	v1 =	vadd.f32 $0.0e+00, v8;
	v8 =	vmul.f32 v52, v16;
	s29 =	spop (v2sf);
	s0 =	sadd.f32 s15, s0  }
0x2c6: {  	v0 =	vadd.f32 v12, v0;
	v12 =	vld [tilespmem:s23+$0xFFFFFF20];
	v10 =	vadd.f32 v17, v10;
	v16 =	vmul.f32 v43, v27;
	s24 =	smax.f32 s24, $0.0e+00;
	s15 =	sadd.f32 $2.000000030e-01, s29  }
0x2c7: {  	s25 =	sadd.s32 $0x8, s25;
	v17 =	vsub.f32 v63, v58;
	v1 =	vadd.f32 v8, v1;
	v8 =	vmul.f32 v18, v59;
	v18 =	vld [tilespmem:s23+$0xFFFFFF90];
	s0 =	sadd.f32 s24, s0  }
0x2c8: {  	p1 =	slt.u32 s25, $0xB8;
	v13 =	vmul.f32 v13, v3;
	v63 =	vld [tilespmem:s23+$0xFFFFFFA0];
	v10 =	vadd.f32 v16, v10;
	v16 =	vsub.f32 v20, v22;
	s30 =	spop (v2sf);
	s15 =	smax.f32 s15, $0.0e+00  }
0x2c9: {  	s21 =	smov.u32 s26;
	v62 =	vld [tilespmem:s26+$0xFFFFFF20];
	(xrf2) =	vadd.scan.msk.f32 $0xffff, v0;
	v0 =	vmul.f32 v33, v31;
	v14 =	vsub.f32 v34, v14;
	v1 =	vadd.f32 v7, v1;
	s24 =	sadd.f32 $2.000000030e-01, s30;
	s31 =	spop (v2sf)  }
.Ltmp2:
0x2ca: {  	v3 =	vld [tilespmem:s21+$0xFFFFFFB0];
	v7 =	vadd.f32 $0.0e+00, v8;
	v8 =	vmul.f32 v17, v60;
	v17 =	vmul.f32 v45, v19;
	s0 =	sadd.f32 s15, s0;
	(pc) =	sbr.rel @p1 .LBB2_6-.Ltmp2, $4  }
0x2cb: {  	v16 =	vmul.f32 v16, v9;
	v9 =	vld [tilespmem:s23+$0xFFFFFFC0];
	v20 =	vsub.f32 v25, v12;
	v0 =	vadd.f32 v0, v1;
	s15 =	sadd.f32 $2.000000030e-01, s31;
	s24 =	smax.f32 s24, $0.0e+00  }
0x2cc: {  	(xrf2) =	vadd.scan.msk.f32 $0xffff, v10;
	v12 =	vld [tilespmem:s26+$0xFFFFFF90];
	v1 =	vadd.f32 v8, v7;
	v7 =	vmul.f32 v14, v61;
	v10 =	vsub.f32 v15, v18;
	s0 =	sadd.f32 s24, s0  }
0x2cd: {  	v19, _, _ =	vpop (xrf2);
	v14 =	vld [tilespmem:s23+$0xFFFFFFB0];
	v18 =	vsub.f32 v4, v5;
	v5 =	vsub.f32 v6, v63;
	s15 =	smax.f32 s15, $0.0e+00  }
0x2ce: {  	v8 =	vld [tilespmem:s26+$0xFFFFFFA0];
	s26 =	sadd.s32 $0x200, s26;
	v11 =	vadd.f32 v17, v1;
	v15 =	vadd.f32 $0.0e+00, v7;
	v17 =	vmul.f32 v20, v62;
	(xrf2) =	vadd.scan.msk.f32 $0xffff, v0;
	v4, _, _ =	vpop (xrf2);
	s24 =	sadd.f32 s15, s0  }
0x2cf: {  	_ =	sdelay $0x2  }
0x2d0: {  	v0 =	vmul.f32 v10, v12;
	v10 =	vld [tilespmem:$0x1FF80]  }
0x2d1: {  	v5 =	vmul.f32 v5, v8;
	v8 =	vld [tilespmem:$0x1FF90];
	_ =	sdelay $0x1  }
0x2d2: {  	v6 =	vld [tilespmem:s21+$0xFFFFFFC0];
	v1 =	vadd.f32 v17, v15;
	v2 =	vsub.f32 v2, v14  }
0x2d3: {  	v0 =	vadd.f32 $0.0e+00, v0  }
0x2d4: {  	v7 =	vadd.f32 v16, v11;
	v1 =	vadd.f32 v13, v1;
	v2 =	vmul.f32 v2, v3  }
0x2d5: {  	v0 =	vadd.f32 v5, v0;
	v9 =	vsub.f32 v10, v9;
	v8 =	vmul.f32 v18, v8;
	_ =	sdelay $0x1  }
0x2d6: {  	(xrf2) =	vadd.scan.msk.f32 $0xffff, v7;
	v0 =	vadd.f32 v2, v0;
	v2 =	vmul.f32 v9, v6;
	v1 =	vadd.f32 v8, v1;
	_ =	sdelay $0x1  }
0x2d7: {  	v0 =	vadd.f32 v2, v0;
	(xrf2) =	vadd.scan.msk.f32 $0xffff, v1;
	_ =	sdelay $0x1  }
0x2d8: {  	(xrf2) =	vadd.scan.msk.f32 $0xffff, v0;
	_ =	sdelay $0x1  }
0x2d9: {  	v0, _, _ =	vpop (xrf2)  }
0x2da: {  	v1, _, _ =	vpop (xrf2)  }
0x2db: {  	v2, _, _ =	vpop (xrf2)  }
0x2dc: {  	(v2sf) =	vpush v2, $0xF  }
0x2dd: {  	(v2sf) =	vpush v1, $0xF;
	v1, _, _ =	vpop (xrf2)  }
0x2de: {  	(v2sf) =	vpush v1, $0xF  }
0x2df: {  	(v2sf) =	vpush v0, $0xF;
	v0, _, _ =	vpop (xrf2)  }
0x2e0: {  	(v2sf) =	vpush v0, $0xF  }
0x2e1: {  	v0, _, _ =	vpop (xrf2);
	(v2sf) =	vpush v4, $0xF  }
0x2e2: {  	(v2sf) =	vpush v0, $0xF  }
0x2e3: {  	(v2sf) =	vpush v19, $0xF;
	_ =	sdelay $0x7  }
0x2e4: {  	s15 =	spop (v2sf)  }
0x2e5: {  	s0 =	spop (v2sf)  }
0x2e6: {  	s31 =	spop (v2sf)  }
0x2e7: {  	s30 =	spop (v2sf)  }
0x2e8: {  	s29 =	spop (v2sf)  }
0x2e9: {  	s28 =	spop (v2sf)  }
0x2ea: {  	s26 =	spop (v2sf)  }
0x2eb: {  	s25 =	spop (v2sf)  }
0x2ec: {  	_ =	swait.ge [sflag:s13], $0x1000  }
0x2ed: {  	[sflag:s13] =	ssyncset.done $0x0  }
0x2ee: {  	[sflag:s13] =	ssyncadd.s32 $0xFFFFF000  }
0x2ef: {  	_ =	swait.ge [sflag:s13], $0x1000  }
0x2f0: {  	[sflag:s13] =	ssyncset.done $0x0  }
0x2f1: {  	[sflag:s13] =	ssyncadd.s32 $0xFFFFF000  }
0x2f2: {  	_ =	swait.ge [sflag:s13], $0x1000  }
0x2f3: {  	[sflag:s13] =	ssyncset.done $0x0  }
0x2f4: {  	s22 =	simm.s32 $0xB4F0;
	[sflag:s13] =	ssyncadd.s32 $0xFFFFF000  }
0x2f5: {  	s21 =	simm.s32 $0x34F0;
	v0 =	vld [tilespmem:s22+$0xFFFFFFC0]  }
0x2f6: {  	v15 =	vld [tilespmem:s21+$0x0]  }
0x2f7: {  	v16 =	vld [tilespmem:s21+$0xFFFFFFF0]  }
0x2f8: {  	s23 =	simm.s32 $0x74F0;
	v17 =	vld [tilespmem:s22+$0x0]  }
0x2f9: {  	v18 =	vld [tilespmem:s23+$0x0]  }
0x2fa: {  	v19 =	vld [tilespmem:s21+$0xFFFFFF80];
	[tilespmem:$0x1FF50] =	vst v0  }
0x2fb: {  	v20 =	vld [tilespmem:s21+$0xFFFFFFE0]  }
0x2fc: {  	v21 =	vld [tilespmem:s22+$0xFFFFFFF0]  }
0x2fd: {  	v22 =	vld [tilespmem:s23+$0xFFFFFFF0]  }
0x2fe: {  	v7 =	vld [tilespmem:s21+$0xFFFFFF40]  }
0x2ff: {  	v23 =	vld [tilespmem:s21+$0xFFFFFF70]  }
0x300: {  	v24 =	vld [tilespmem:s22+$0xFFFFFF80]  }
0x301: {  	v25 =	vld [tilespmem:s23+$0xFFFFFF80]  }
0x302: {  	v2 =	vld [tilespmem:s22+$0xFFFFFFB0]  }
0x303: {  	v26 =	vld [tilespmem:s21+$0xFFFFFFD0]  }
0x304: {  	v0 =	vld [tilespmem:s23+$0xFFFFFF40]  }
0x305: {  	v27 =	vld [tilespmem:s22+$0xFFFFFFE0]  }
0x306: {  	v28 =	vld [tilespmem:s23+$0xFFFFFFE0]  }
0x307: {  	v29 =	vld [tilespmem:s21+$0xFFFFFF00]  }
0x308: {  	v5 =	vld [tilespmem:s21+$0xFFFFFF30]  }
0x309: {  	v1 =	vld [tilespmem:s22+$0xFFFFFF40];
	[tilespmem:$0x1FF60] =	vst v0  }
0x30a: {  	v30 =	vld [tilespmem:s21+$0xFFFFFF60]  }
0x30b: {  	v31 =	vld [tilespmem:s22+$0xFFFFFF70]  }
0x30c: {  	v32 =	vld [tilespmem:s23+$0xFFFFFF70]  }
0x30d: {  	v6 =	vld [tilespmem:s22+$0xFFFFFFA0]  }
0x30e: {  	v33 =	vld [tilespmem:s22+$0xFFFFFFD0]  }
0x30f: {  	v34 =	vld [tilespmem:s23+$0xFFFFFFD0]  }
0x310: {  	v0 =	vld [tilespmem:s21+$0xFFFFFEC0]  }
0x311: {  	v35 =	vld [tilespmem:s21+$0xFFFFFEF0]  }
0x312: {  	v36 =	vld [tilespmem:s22+$0xFFFFFF00]  }
0x313: {  	v37 =	vld [tilespmem:s23+$0xFFFFFF00]  }
0x314: {  	v8 =	vld [tilespmem:s22+$0xFFFFFF30]  }
0x315: {  	v9 =	vld [tilespmem:s23+$0xFFFFFF30]  }
0x316: {  	v38 =	vld [tilespmem:s21+$0xFFFFFF50]  }
0x317: {  	v39 =	vld [tilespmem:s22+$0xFFFFFF60]  }
0x318: {  	v40 =	vld [tilespmem:s23+$0xFFFFFF60]  }
0x319: {  	v10 =	vld [tilespmem:s22+$0xFFFFFF90]  }
0x31a: {  	v41 =	vld [tilespmem:s21+$0xFFFFFE80]  }
0x31b: {  	v11 =	vld [tilespmem:s21+$0xFFFFFEB0]  }
0x31c: {  	v12 =	vld [tilespmem:s22+$0xFFFFFEC0]  }
0x31d: {  	v13 =	vld [tilespmem:s23+$0xFFFFFEC0]  }
0x31e: {  	v42 =	vld [tilespmem:s21+$0xFFFFFEE0]  }
0x31f: {  	v43 =	vld [tilespmem:s22+$0xFFFFFEF0]  }
0x320: {  	v44 =	vld [tilespmem:s23+$0xFFFFFEF0]  }
0x321: {  	v14 =	vld [tilespmem:s22+$0xFFFFFF20]  }
0x322: {  	v45 =	vld [tilespmem:s22+$0xFFFFFF50]  }
0x323: {  	v46 =	vld [tilespmem:s23+$0xFFFFFF50]  }
0x324: {  	v48 =	vld [tilespmem:s21+$0xFFFFFE70]  }
0x325: {  	v49 =	vld [tilespmem:s22+$0xFFFFFE80]  }
0x326: {  	v50 =	vld [tilespmem:s23+$0xFFFFFE80]  }
0x327: {  	v51 =	vld [tilespmem:s22+$0xFFFFFEB0]  }
0x328: {  	v52 =	vld [tilespmem:s23+$0xFFFFFEB0]  }
0x329: {  	v53 =	vld [tilespmem:s21+$0xFFFFFED0]  }
0x32a: {  	v54 =	vld [tilespmem:s22+$0xFFFFFEE0]  }
0x32b: {  	v55 =	vld [tilespmem:s23+$0xFFFFFEE0]  }
0x32c: {  	v56 =	vld [tilespmem:s22+$0xFFFFFF10]  }
0x32d: {  	v58 =	vld [tilespmem:s22+$0xFFFFFE40]  }
0x32e: {  	v59 =	vld [tilespmem:s23+$0xFFFFFE40]  }
0x32f: {  	v60 =	vld [tilespmem:s21+$0xFFFFFE60]  }
0x330: {  	v61 =	vld [tilespmem:s22+$0xFFFFFE70]  }
0x331: {  	v62 =	vld [tilespmem:s23+$0xFFFFFE70]  }
0x332: {  	v63 =	vld [tilespmem:s22+$0xFFFFFEA0]  }
0x333: {  	v4 =	vld [tilespmem:s22+$0xFFFFFED0]  }
0x334: {  	v3 =	vld [tilespmem:s23+$0xFFFFFED0]  }
0x335: {  	v17 =	vsub.f32 v17, v18;
	v18 =	vld [tilespmem:s22+$0xFFFFFE30]  }
0x336: {  	v21 =	vsub.f32 v21, v22;
	v22 =	vsub.f32 v24, v25;
	v25 =	vld [tilespmem:s23+$0xFFFFFE30]  }
0x337: {  	v15 =	vmul.f32 v17, v15;
	v24 =	vsub.f32 v27, v28;
	v17 =	vld [tilespmem:s22+$0xFFFFFE90]  }
0x338: {  	v27 =	vsub.f32 v31, v32;
	v28 =	vsub.f32 v33, v34;
	v31 =	vld [tilespmem:s22+$0xFFFFFE60]  }
0x339: {  	v32 =	vsub.f32 v36, v37;
	v33 =	vsub.f32 v39, v40;
	v34 =	vld [tilespmem:s23+$0xFFFFFE60]  }
0x33a: {  	v36 =	vsub.f32 v43, v44;
	v37 =	vsub.f32 v45, v46;
	v39 =	vld [tilespmem:s22+$0xFFFFFE20]  }
0x33b: {  	v43 =	vsub.f32 v51, v52;
	v52 =	vsub.f32 v54, v55;
	v54 =	vld [tilespmem:s22+$0xFFFFFE50]  }
0x33c: {  	v44 =	vsub.f32 v58, v59;
	v58 =	vld [tilespmem:s23+$0xFFFFFE50];
	v26 =	vmul.f32 v28, v26  }
0x33d: {  	v3 =	vsub.f32 v4, v3;
	v59 =	vld [tilespmem:s21+$0xFFFFFE50];
	v4 =	vmul.f32 v37, v38  }
0x33e: {  	v20 =	vmul.f32 v24, v20;
	v28 =	vld [tilespmem:s23+$0xFFFFFE20];
	v26 =	vadd.f32 $0.0e+00, v26  }
0x33f: {  	v16 =	vmul.f32 v21, v16;
	v55 =	vsub.f32 v61, v62;
	v61 =	vld [tilespmem:s22+$0xFFFFFE10];
	v4 =	vadd.f32 $0.0e+00, v4  }
0x340: {  	v37 =	vld [tilespmem:s23+$0xFFFFFE10];
	v31 =	vsub.f32 v31, v34;
	v34 =	vmul.f32 v33, v30;
	v20 =	vadd.f32 v20, v26  }
0x341: {  	v40 =	vsub.f32 v49, v50;
	v46 =	vld [tilespmem:s23+$0xFFFFFEA0]  }
0x342: {  	v23 =	vmul.f32 v27, v23;
	v38 =	vld [tilespmem:s21+$0xFFFFFE10];
	v4 =	vadd.f32 v34, v4;
	v16 =	vadd.f32 v16, v20  }
0x343: {  	s15 =	sadd.f32 $2.000000030e-01, s15;
	v18 =	vsub.f32 v18, v25;
	v62 =	vsub.f32 v39, v28;
	v39 =	vmul.f32 v52, v42;
	v42 =	vld [tilespmem:s21+$0xFFFFFE20]  }
0x344: {  	v19 =	vmul.f32 v22, v19;
	v4 =	vadd.f32 v23, v4;
	v15 =	vadd.f32 v15, v16;
	v16 =	vld [tilespmem:s23+$0xFFFFFE90]  }
0x345: {  	s0 =	sadd.f32 $2.000000030e-01, s0;
	s15 =	smax.f32 s15, $0.0e+00;
	v13 =	vsub.f32 v12, v13;
	v3 =	vmul.f32 v3, v53;
	v21 =	vsub.f32 v61, v37;
	v52 =	vld [tilespmem:s23+$0xFFFFFF10]  }
0x346: {  	s15 =	sadd.f32 s15, s24;
	v45 =	vmul.f32 v36, v35;
	v20 =	vsub.f32 v54, v58;
	v4 =	vadd.f32 v19, v4;
	v19 =	vld [tilespmem:s21+$0xFFFFFE90]  }
0x347: {  	s31 =	sadd.f32 $2.000000030e-01, s31;
	s0 =	smax.f32 s0, $0.0e+00;
	v57 =	vld [tilespmem:s21+$0xFFFFFE30];
	v51 =	vmul.f32 v32, v29;
	v53 =	vmul.f32 v55, v48;
	v3 =	vadd.f32 $0.0e+00, v3;
	(xrf2) =	vadd.scan.msk.f32 $0xffff, v15  }
0x348: {  	s0 =	sadd.f32 s0, s15;
	v58 =	vsub.f32 v63, v46;
	v20 =	vmul.f32 v20, v59;
	v15 =	vmul.f32 v21, v38;
	(xrf2) =	vadd.scan.msk.f32 $0xffff, v4;
	v4 =	vld [tilespmem:s21+$0xFFFFFEA0]  }
0x349: {  	s24 =	smax.f32 s31, $0.0e+00;
	s31 =	sadd.f32 $2.000000030e-01, s30;
	v47 =	vld [tilespmem:s21+$0xFFFFFE40];
	v50 =	vmul.f32 v31, v60;
	v3 =	vadd.f32 v39, v3;
	v16 =	vsub.f32 v17, v16  }
0x34a: {  	s0 =	sadd.f32 s24, s0;
	v61 =	vld [tilespmem:s21+$0xFFFFFF20];
	v20 =	vadd.f32 $0.0e+00, v20;
	v15 =	vadd.f32 $0.0e+00, v15;
	v17 =	vmul.f32 v62, v42  }
0x34b: {  	s29 =	sadd.f32 $2.000000030e-01, s29;
	s24 =	smax.f32 s31, $0.0e+00;
	v54 =	vld [tilespmem:s23+$0xFFFFFF20];
	v3 =	vadd.f32 v45, v3;
	v60 =	vsub.f32 v56, v52;
	v16 =	vmul.f32 v16, v19  }
0x34c: {  	s0 =	sadd.f32 s24, s0;
	v55 =	vmul.f32 v40, v41;
	v59 =	vld [tilespmem:s21+$0xFFFFFF10];
	v20 =	vadd.f32 v50, v20;
	v15 =	vadd.f32 v17, v15  }
0x34d: {  	s31 =	sadd.f32 $2.000000030e-01, s28;
	s30 =	smax.f32 s29, $0.0e+00;
	v17 =	vmul.f32 v18, v57;
	v18 =	vld [tilespmem:s23+$0xFFFFFF90];
	v4 =	vmul.f32 v58, v4;
	v16 =	vadd.f32 $0.0e+00, v16  }
0x34e: {  	s0 =	sadd.f32 s30, s0;
	v3 =	vadd.f32 v51, v3;
	v62 =	vld [tilespmem:s23+$0xFFFFFFA0];
	v20 =	vadd.f32 v53, v20;
	v19 =	vmul.f32 v44, v47  }
0x34f: {  	s28 =	sadd.f32 $2.000000030e-01, s26;
	s24 =	smax.f32 s31, $0.0e+00;
	v15 =	vadd.f32 v17, v15;
	v4 =	vadd.f32 v4, v16;
	v16 =	vmul.f32 v13, v0;
	v0 =	vld [tilespmem:$0x1FF60]  }
0x350: {  	s0 =	sadd.f32 s24, s0;
	v12 =	vld [tilespmem:s21+$0xFFFFFF90];
	v11 =	vmul.f32 v43, v11;
	(xrf2) =	vadd.scan.msk.f32 $0xffff, v3;
	v3 =	vsub.f32 v8, v9;
	v20 =	vadd.f32 v55, v20  }
0x351: {  	s29 =	smax.f32 s28, $0.0e+00;
	s30 =	sadd.f32 $2.000000030e-01, s25;
	v8 =	vld [tilespmem:s21+$0xFFFFFFA0];
	v17 =	vsub.f32 v14, v54;
	v63 =	vadd.f32 v19, v15;
	v15 =	vmul.f32 v60, v59  }
0x352: {  	s0 =	sadd.f32 s29, s0;
	v9 =	vld [tilespmem:s23+$0xFFFFFFC0];
	v10 =	vsub.f32 v10, v18  }
0x353: {  	s31 =	smax.f32 s30, $0.0e+00;
	v14 =	vld [tilespmem:s23+$0xFFFFFFB0];
	(xrf2) =	vadd.scan.msk.f32 $0xffff, v20;
	v17 =	vmul.f32 v17, v61;
	v19, _, _ =	vpop (xrf2);
	v13 =	vadd.f32 v11, v4;
	v15 =	vadd.f32 $0.0e+00, v15  }
0x354: {  	s25 =	simm.s32 $0x36F0;
	s24 =	simm.s32 $0xC0;
	s26 =	sadd.f32 s31, s0;
	(xrf2) =	vadd.scan.msk.f32 $0xffff, v63;
	v11 =	vmul.f32 v3, v5;
	v5 =	vsub.f32 v6, v62;
	v3 =	vld [tilespmem:s21+$0xFFFFFFB0];
	v4, _, _ =	vpop (xrf2);
	v18 =	vsub.f32 v1, v0  }
.LBB2_8:
0x355: {  	v0 =	vld [tilespmem:s25+$0x0]  }
0x356: {  	v24 =	vld [tilespmem:s25+$0xFFFFFFD0]  }
0x357: {  	v23 =	vld [tilespmem:s25+$0xFFFFFF60]  }
0x358: {  	v21 =	vld [tilespmem:s25+$0xFFFFFEF0]  }
0x359: {  	v41 =	vld [tilespmem:s25+$0xFFFFFF50]  }
0x35a: {  	v27 =	vld [tilespmem:s25+$0xFFFFFE80]  }
0x35b: {  	v44 =	vld [tilespmem:s25+$0xFFFFFEE0]  }
0x35c: {  	v31 =	vld [tilespmem:s25+$0xFFFFFE40]  }
0x35d: {  	v49 =	vld [tilespmem:s25+$0xFFFFFE70]  }
0x35e: {  	v54 =	vld [tilespmem:s25+$0xFFFFFED0]  }
0x35f: {  	v57 =	vld [tilespmem:s25+$0xFFFFFE30]  }
0x360: {  	s22 =	sadd.s32 $0x200, s22;
	v60 =	vld [tilespmem:s25+$0xFFFFFE60]  }
0x361: {  	s23 =	sadd.s32 $0x200, s23;
	v26 =	vld [tilespmem:s22+$0xFFFFFFF0]  }
0x362: {  	v28 =	vld [tilespmem:s23+$0xFFFFFFF0]  }
0x363: {  	v29 =	vld [tilespmem:s22+$0xFFFFFF80]  }
0x364: {  	v30 =	vld [tilespmem:s23+$0xFFFFFF80]  }
0x365: {  	v32 =	vld [tilespmem:s22+$0xFFFFFFE0]  }
0x366: {  	v33 =	vld [tilespmem:s23+$0xFFFFFFE0]  }
0x367: {  	v35 =	vld [tilespmem:s22+$0xFFFFFF70]  }
0x368: {  	v36 =	vld [tilespmem:s23+$0xFFFFFF70]  }
0x369: {  	v37 =	vld [tilespmem:s22+$0xFFFFFFD0]  }
0x36a: {  	v38 =	vld [tilespmem:s23+$0xFFFFFFD0]  }
0x36b: {  	v39 =	vld [tilespmem:s22+$0xFFFFFF00]  }
0x36c: {  	v40 =	vld [tilespmem:s23+$0xFFFFFF00]  }
0x36d: {  	v42 =	vld [tilespmem:s22+$0xFFFFFF60]  }
0x36e: {  	v43 =	vld [tilespmem:s23+$0xFFFFFF60]  }
0x36f: {  	v20 =	vld [tilespmem:s22+$0xFFFFFEC0]  }
0x370: {  	v22 =	vld [tilespmem:s23+$0xFFFFFEC0]  }
0x371: {  	v45 =	vld [tilespmem:s22+$0xFFFFFEF0]  }
0x372: {  	v46 =	vld [tilespmem:s23+$0xFFFFFEF0]  }
0x373: {  	v25 =	vld [tilespmem:s22+$0xFFFFFF20]  }
0x374: {  	v47 =	vld [tilespmem:s22+$0xFFFFFF50]  }
0x375: {  	v48 =	vld [tilespmem:s23+$0xFFFFFF50]  }
0x376: {  	v50 =	vld [tilespmem:s22+$0xFFFFFE80]  }
0x377: {  	v51 =	vld [tilespmem:s23+$0xFFFFFE80]  }
0x378: {  	v52 =	vld [tilespmem:s22+$0xFFFFFEB0]  }
0x379: {  	v53 =	vld [tilespmem:s23+$0xFFFFFEB0]  }
0x37a: {  	v55 =	vld [tilespmem:s22+$0xFFFFFEE0]  }
0x37b: {  	v56 =	vld [tilespmem:s23+$0xFFFFFEE0]  }
0x37c: {  	v34 =	vld [tilespmem:s22+$0xFFFFFF10]  }
0x37d: {  	v58 =	vld [tilespmem:s22+$0xFFFFFE40]  }
0x37e: {  	v59 =	vld [tilespmem:s23+$0xFFFFFE40]  }
0x37f: {  	v61 =	vld [tilespmem:s22+$0xFFFFFE70]  }
0x380: {  	v62 =	vld [tilespmem:s23+$0xFFFFFE70]  }
0x381: {  	v63 =	vld [tilespmem:s22+$0xFFFFFEA0]  }
0x382: {  	v2 =	vsub.f32 v2, v14;
	v14 =	vld [tilespmem:s21+$0xFFFFFFC0]  }
0x383: {  	v12 =	vmul.f32 v10, v12;
	v10 =	vld [tilespmem:s25+$0xFFFFFFF0]  }
0x384: {  	v1 =	vmul.f32 v18, v7;
	v18 =	vld [tilespmem:s23+$0x0]  }
0x385: {  	v5 =	vmul.f32 v5, v8;
	v8 =	vld [tilespmem:s25+$0xFFFFFF80]  }
0x386: {  	v7 =	vld [tilespmem:s22+$0xFFFFFE30]  }
0x387: {  	[tilespmem:$0x1FF30] =	vst v0;
	v0 =	vadd.f32 v16, v13;
	v13 =	vadd.f32 v17, v15;
	v17 =	vld [tilespmem:s22+$0x0]  }
0x388: {  	v16 =	vld [tilespmem:s25+$0xFFFFFFE0]  }
0x389: {  	v15 =	vld [tilespmem:s22+$0xFFFFFF90]  }
0x38a: {  	v26 =	vsub.f32 v26, v28;
	v28 =	vsub.f32 v29, v30;
	v30 =	vld [tilespmem:s22+$0xFFFFFE60]  }
0x38b: {  	v12 =	vadd.f32 $0.0e+00, v12;
	v29 =	vsub.f32 v32, v33;
	(xrf2) =	vadd.scan.msk.f32 $0xffff, v0;
	v0 =	vld [tilespmem:$0x1FF50]  }
0x38c: {  	v32 =	vsub.f32 v35, v36;
	v33 =	vsub.f32 v37, v38;
	v35 =	vld [tilespmem:s23+$0xFFFFFE60]  }
0x38d: {  	v36 =	vsub.f32 v39, v40;
	v37 =	vsub.f32 v42, v43;
	v38 =	vld [tilespmem:s22+$0xFFFFFE20]  }
0x38e: {  	v39 =	vsub.f32 v45, v46;
	v42 =	vld [tilespmem:s23+$0xFFFFFE20];
	v11 =	vadd.f32 v11, v13  }
0x38f: {  	v43 =	vsub.f32 v50, v51;
	v46 =	vld [tilespmem:s22+$0xFFFFFE50];
	v5 =	vadd.f32 v5, v12  }
0x390: {  	v2 =	vmul.f32 v2, v3;
	v51 =	vld [tilespmem:s23+$0xFFFFFE10];
	v1 =	vadd.f32 v1, v11;
	v9 =	vsub.f32 v0, v9  }
0x391: {  	v6, _, _ =	vpop (xrf2);
	v45 =	vsub.f32 v52, v53;
	v53 =	vld [tilespmem:s22+$0xFFFFFE90]  }
0x392: {  	v62 =	vsub.f32 v61, v62;
	v61 =	vld [tilespmem:s25+$0xFFFFFF10];
	v3, _, _ =	vpop (xrf2);
	v2 =	vadd.f32 v2, v5;
	(xrf2) =	vadd.scan.msk.f32 $0xffff, v1;
	v5 =	vmul.f32 v9, v14  }
0x393: {  	v13 =	vld [tilespmem:s23+$0xFFFFFF30]  }
0x394: {  	v0 =	vld [tilespmem:s22+$0xFFFFFFC0];
	v1, _, _ =	vpop (xrf2);
	v2 =	vadd.f32 v5, v2  }
0x395: {  	v12 =	vld [tilespmem:s25+$0xFFFFFF00];
	(v2sf) =	vpush v1, $0xF  }
0x396: {  	v24 =	vmul.f32 v33, v24;
	v33 =	vsub.f32 v58, v59;
	v59 =	vld [tilespmem:s23+$0xFFFFFE50]  }
0x397: {  	v58 =	vsub.f32 v55, v56;
	v55 =	vld [tilespmem:s23+$0xFFFFFE90];
	(v2sf) =	vpush v3, $0xF;
	(xrf2) =	vadd.scan.msk.f32 $0xffff, v2  }
0x398: {  	v11 =	vld [tilespmem:s22+$0xFFFFFF30];
	v2, _, _ =	vpop (xrf2)  }
0x399: {  	v24 =	vadd.f32 $0.0e+00, v24;
	v16 =	vmul.f32 v29, v16;
	[tilespmem:$0x1FF50] =	vst v0;
	v0 =	vld [tilespmem:s25+$0xFFFFFF40];
	(v2sf) =	vpush v2, $0xF  }
0x39a: {  	v10 =	vmul.f32 v26, v10;
	v17 =	vsub.f32 v17, v18;
	v18 =	vld [tilespmem:s23+$0xFFFFFE30]  }
0x39b: {  	v56 =	vmul.f32 v58, v44;
	v58 =	vld [tilespmem:s23+$0xFFFFFEA0];
	v16 =	vadd.f32 v16, v24;
	(v2sf) =	vpush v6, $0xF  }
0x39c: {  	v1 =	vld [tilespmem:s23+$0xFFFFFED0];
	v3, _, _ =	vpop (xrf2)  }
0x39d: {  	v10 =	vadd.f32 v10, v16;
	v16 =	vld [tilespmem:$0x1FF30];
	(v2sf) =	vpush v3, $0xF  }
0x39e: {  	[tilespmem:$0x1FF40] =	vst v0;
	v0 =	vld [tilespmem:s22+$0xFFFFFED0]  }
0x39f: {  	v14 =	vld [tilespmem:s25+$0xFFFFFF70];
	(v2sf) =	vpush v4, $0xF  }
0x3a0: {  	v9 =	vld [tilespmem:s25+$0xFFFFFEC0]  }
0x3a1: {  	v40 =	vsub.f32 v47, v48;
	v7 =	vsub.f32 v7, v18;
	v18 =	vld [tilespmem:s25+$0xFFFFFE50];
	v6, _, _ =	vpop (xrf2)  }
0x3a2: {  	v5 =	vld [tilespmem:s23+$0xFFFFFF40];
	v16 =	vmul.f32 v17, v16;
	(v2sf) =	vpush v6, $0xF  }
0x3a3: {  	v17 =	vld [tilespmem:s25+$0xFFFFFE10];
	v0 =	vsub.f32 v0, v1;
	v1 =	vmul.f32 v40, v41;
	(v2sf) =	vpush v19, $0xF  }
0x3a4: {  	v3 =	vld [tilespmem:s25+$0xFFFFFF30];
	s0 =	spop (v2sf)  }
0x3a5: {  	v23 =	vmul.f32 v37, v23;
	v21 =	vmul.f32 v39, v21;
	v41 =	vld [tilespmem:s22+$0xFFFFFE10];
	v1 =	vadd.f32 $0.0e+00, v1;
	s0 =	sadd.f32 $2.000000030e-01, s0  }
0x3a6: {  	v11 =	vsub.f32 v11, v13;
	v2 =	vld [tilespmem:s22+$0xFFFFFFB0];
	v10 =	vadd.f32 v16, v10;
	v0 =	vmul.f32 v0, v54;
	s15 =	spop (v2sf)  }
0x3a7: {  	v14 =	vmul.f32 v32, v14;
	v16 =	vld [tilespmem:s25+$0xFFFFFE20];
	v54 =	vsub.f32 v46, v59;
	s15 =	sadd.f32 $2.000000030e-01, s15;
	v1 =	vadd.f32 v23, v1;
	s0 =	smax.f32 s0, $0.0e+00  }
0x3a8: {  	s21 =	smov.u32 s25;
	v8 =	vmul.f32 v28, v8;
	v30 =	vsub.f32 v30, v35;
	v4 =	vld [tilespmem:s22+$0xFFFFFF40];
	v0 =	vadd.f32 $0.0e+00, v0;
	s0 =	sadd.f32 s0, s26;
	s30 =	spop (v2sf)  }
0x3a9: {  	v11 =	vmul.f32 v11, v3;
	v3 =	vld [tilespmem:s21+$0xFFFFFFB0];
	v18 =	vmul.f32 v54, v18;
	s15 =	smax.f32 s15, $0.0e+00;
	v1 =	vadd.f32 v14, v1;
	s26 =	sadd.f32 $2.000000030e-01, s30  }
0x3aa: {  	v12 =	vmul.f32 v36, v12;
	v6 =	vld [tilespmem:s22+$0xFFFFFFA0];
	v14 =	vsub.f32 v41, v51;
	v0 =	vadd.f32 v56, v0;
	s0 =	sadd.f32 s15, s0;
	s31 =	spop (v2sf)  }
0x3ab: {  	(xrf2) =	vadd.scan.msk.f32 $0xffff, v10;
	v59 =	vld [tilespmem:s25+$0xFFFFFE90];
	v10 =	vadd.f32 $0.0e+00, v18;
	v18 =	vmul.f32 v30, v60;
	v1 =	vadd.f32 v8, v1;
	s15 =	sadd.f32 $2.000000030e-01, s31;
	s26 =	smax.f32 s26, $0.0e+00  }
0x3ac: {  	v52 =	vsub.f32 v38, v42;
	v7 =	vmul.f32 v7, v57;
	v19 =	vld [tilespmem:s25+$0xFFFFFEB0];
	v8 =	vmul.f32 v14, v17;
	s28 =	spop (v2sf);
	s0 =	sadd.f32 s26, s0  }
0x3ad: {  	v0 =	vadd.f32 v21, v0;
	v14 =	vld [tilespmem:s23+$0xFFFFFF10];
	v10 =	vadd.f32 v18, v10;
	v17 =	vmul.f32 v62, v49;
	(xrf2) =	vadd.scan.msk.f32 $0xffff, v1;
	s15 =	smax.f32 s15, $0.0e+00;
	s26 =	sadd.f32 $2.000000030e-01, s28  }
0x3ae: {  	v60 =	vld [tilespmem:s25+$0xFFFFFEA0];
	v18 =	vsub.f32 v53, v55;
	v1 =	vadd.f32 $0.0e+00, v8;
	v8 =	vmul.f32 v52, v16;
	s29 =	spop (v2sf);
	s0 =	sadd.f32 s15, s0  }
0x3af: {  	v0 =	vadd.f32 v12, v0;
	v12 =	vld [tilespmem:s23+$0xFFFFFF20];
	v10 =	vadd.f32 v17, v10;
	v16 =	vmul.f32 v43, v27;
	s26 =	smax.f32 s26, $0.0e+00;
	s15 =	sadd.f32 $2.000000030e-01, s29  }
0x3b0: {  	v17 =	vsub.f32 v63, v58;
	v1 =	vadd.f32 v8, v1;
	v8 =	vmul.f32 v18, v59;
	v18 =	vld [tilespmem:s23+$0xFFFFFF90];
	s0 =	sadd.f32 s26, s0  }
0x3b1: {  	s24 =	sadd.s32 $0x8, s24;
	v63 =	vld [tilespmem:s23+$0xFFFFFFA0];
	v10 =	vadd.f32 v16, v10;
	v16 =	vsub.f32 v20, v22;
	s30 =	spop (v2sf);
	s15 =	smax.f32 s15, $0.0e+00  }
0x3b2: {  	p1 =	slt.u32 s24, $0xF8;
	v62 =	vld [tilespmem:s25+$0xFFFFFF20];
	(xrf2) =	vadd.scan.msk.f32 $0xffff, v0;
	v0 =	vmul.f32 v33, v31;
	v14 =	vsub.f32 v34, v14;
	v1 =	vadd.f32 v7, v1;
	s26 =	sadd.f32 $2.000000030e-01, s30;
	s31 =	spop (v2sf)  }
.Ltmp3:
0x3b3: {  	v7 =	vadd.f32 $0.0e+00, v8;
	v8 =	vmul.f32 v17, v60;
	v16 =	vmul.f32 v16, v9;
	v9 =	vld [tilespmem:s23+$0xFFFFFFC0];
	s0 =	sadd.f32 s15, s0;
	(pc) =	sbr.rel @p1 .LBB2_8-.Ltmp3, $4  }
0x3b4: {  	v17 =	vmul.f32 v45, v19;
	v20 =	vsub.f32 v25, v12;
	v12 =	vld [tilespmem:s25+$0xFFFFFF90];
	v0 =	vadd.f32 v0, v1;
	s15 =	sadd.f32 $2.000000030e-01, s31;
	s26 =	smax.f32 s26, $0.0e+00  }
0x3b5: {  	(xrf2) =	vadd.scan.msk.f32 $0xffff, v10;
	v1 =	vadd.f32 v8, v7;
	v7 =	vmul.f32 v14, v61;
	v14 =	vld [tilespmem:s23+$0xFFFFFFB0];
	v10 =	vsub.f32 v15, v18;
	s0 =	sadd.f32 s26, s0  }
0x3b6: {  	v19, _, _ =	vpop (xrf2);
	v8 =	vld [tilespmem:s25+$0xFFFFFFA0];
	v18 =	vsub.f32 v4, v5;
	v5 =	vsub.f32 v6, v63;
	s15 =	smax.f32 s15, $0.0e+00  }
0x3b7: {  	s25 =	sadd.s32 $0x200, s25;
	v13 =	vadd.f32 v17, v1;
	v15 =	vadd.f32 $0.0e+00, v7;
	v7 =	vld [tilespmem:$0x1FF40];
	v17 =	vmul.f32 v20, v62;
	(xrf2) =	vadd.scan.msk.f32 $0xffff, v0;
	v4, _, _ =	vpop (xrf2);
	s26 =	sadd.f32 s15, s0  }
0x3b8: {  	v56 =	vld [tilespmem:$0x1FF50]  }
0x3b9: {  	v1 =	vadd.f32 v17, v15  }
0x3ba: {  	v0 =	vadd.f32 v16, v13;
	v6 =	vmul.f32 v10, v12  }
0x3bb: {  	v55 =	vld [tilespmem:s21+$0xFFFFFFC0];
	v2 =	vsub.f32 v2, v14;
	v1 =	vadd.f32 v11, v1  }
0x3bc: {  	v6 =	vadd.f32 $0.0e+00, v6;
	v5 =	vmul.f32 v5, v8;
	(xrf2) =	vadd.scan.msk.f32 $0xffff, v0;
	v7 =	vmul.f32 v18, v7  }
0x3bd: {  	v0 =	vsub.f32 v56, v9  }
0x3be: {  	v2 =	vmul.f32 v2, v3;
	v5 =	vadd.f32 v5, v6;
	v1 =	vadd.f32 v7, v1;
	_ =	sdelay $0x1  }
0x3bf: {  	v57, _, _ =	vpop (xrf2);
	v2 =	vadd.f32 v2, v5;
	v0 =	vmul.f32 v0, v55;
	(xrf2) =	vadd.scan.msk.f32 $0xffff, v1  }
0x3c0: {  	v58, _, _ =	vpop (xrf2)  }
0x3c1: {  	v0 =	vadd.f32 v0, v2;
	v59, _, _ =	vpop (xrf2)  }
0x3c2: {  	(v2sf) =	vpush v59, $0xF  }
0x3c3: {  	(xrf2) =	vadd.scan.msk.f32 $0xffff, v0  }
0x3c4: {  	(v2sf) =	vpush v58, $0xF  }
0x3c5: {  	v60, _, _ =	vpop (xrf2)  }
0x3c6: {  	(v2sf) =	vpush v60, $0xF;
	_ =	sdelay $0x1  }
0x3c7: {  	(v2sf) =	vpush v57, $0xF  }
0x3c8: {  	v61, _, _ =	vpop (xrf2)  }
0x3c9: {  	(v2sf) =	vpush v61, $0xF;
	_ =	sdelay $0x1  }
0x3ca: {  	(v2sf) =	vpush v4, $0xF  }
0x3cb: {  	v62, _, _ =	vpop (xrf2)  }
0x3cc: {  	(v2sf) =	vpush v62, $0xF;
	_ =	sdelay $0x1  }
0x3cd: {  	(v2sf) =	vpush v19, $0xF  }
0x3ce: {  	s0 =	spop (v2sf)  }
0x3cf: {  	s0 =	sadd.f32 $2.000000030e-01, s0  }
0x3d0: {  	s15 =	spop (v2sf)  }
0x3d1: {  	s15 =	sadd.f32 $2.000000030e-01, s15;
	s0 =	smax.f32 s0, $0.0e+00  }
0x3d2: {  	s0 =	sadd.f32 s0, s26;
	s25 =	spop (v2sf)  }
0x3d3: {  	s15 =	smax.f32 s15, $0.0e+00;
	s21 =	sadd.f32 $2.000000030e-01, s25  }
0x3d4: {  	s26 =	spop (v2sf);
	s0 =	sadd.f32 s15, s0  }
0x3d5: {  	s15 =	sadd.f32 $2.000000030e-01, s26;
	s21 =	smax.f32 s21, $0.0e+00  }
0x3d6: {  	s0 =	sadd.f32 s21, s0;
	s28 =	spop (v2sf)  }
0x3d7: {  	s15 =	smax.f32 s15, $0.0e+00;
	s21 =	sadd.f32 $2.000000030e-01, s28  }
0x3d8: {  	s0 =	sadd.f32 s15, s0;
	s29 =	spop (v2sf)  }
0x3d9: {  	s15 =	sadd.f32 $2.000000030e-01, s29;
	s21 =	smax.f32 s21, $0.0e+00  }
0x3da: {  	s30 =	spop (v2sf);
	s0 =	sadd.f32 s21, s0  }
0x3db: {  	s15 =	smax.f32 s15, $0.0e+00;
	s21 =	sadd.f32 $2.000000030e-01, s30  }
0x3dc: {  	s31 =	spop (v2sf);
	s0 =	sadd.f32 s15, s0  }
0x3dd: {  	s21 =	smax.f32 s21, $0.0e+00;
	s15 =	sadd.f32 $2.000000030e-01, s31  }
0x3de: {  	s0 =	sadd.f32 s21, s0  }
0x3df: {  	s15 =	smax.f32 s15, $0.0e+00  }
0x3e0: {  	s0 =	sadd.f32 s15, s0;
	_ =	sdelay $0x1  }
0x3e1: {  	v63 =	vmov s0  }
0x3e2: {  	v0 =	vnsel vm0, $0x0, v63  }
0x3e3: {  	[tilespmem:$0xC300] =	vst v0  }
0x3e4: {  	[spmem:s8] =	stream.linear.scatter [tilespmem:s18], [sflag:$0x2], $0x10, $0x38;
	[tilespmem:$0xC420] =	vst v63  }
0x3e5: {  	_ =	swait.ge [sflag:s19], $0x10  }
0x3e6: {  	[sflag:s19] =	ssyncset.done $0x0  }
0x3e7: {  	[sflag:s19] =	ssyncadd.s32 $0xFFFFFFF0  }
0x3e8: {  	s0 =	simm.s32 @!p0 $0xC320;
	[bflag:$0x0] =	sbarrier.arrive $0xFFFF  }
0x3e9: {  	[tilespmem:s0], [sflag:$0x2] =	stream.linear.gather @!p0 [spmem:s1], $0x100, $0x38;
	[tilespmem:$0xC420] =	vst v63  }
0x3ea: {  	s0 =	simm.s32 @!p0 $0x2  }
0x3eb: {  	_ =	swait.ge @!p0 [sflag:s0], $0x100  }
0x3ec: {  	[sflag:s0] =	ssyncset.done @!p0 $0x0  }
0x3ed: {  	[sflag:s0] =	ssyncadd.s32 @!p0 $0xFFFFFF00  }
0x3ee: {  	v0 =	vld @!p0 [tilespmem:$0xC320];
	_ =	sdelay $0x1  }
0x3ef: {  	v1 =	vld @!p0 [tilespmem:$0xC330];
	_ =	sdelay $0x1  }
0x3f0: {  	v2 =	vld @!p0 [tilespmem:$0xC340]  }
0x3f1: {  	v0 =	vadd.f32 @!p0 $0.0e+00, v0  }
0x3f2: {  	v3 =	vld @!p0 [tilespmem:$0xC350]  }
0x3f3: {  	v0 =	vadd.f32 @!p0 v1, v0  }
0x3f4: {  	v1 =	vld @!p0 [tilespmem:$0xC360]  }
0x3f5: {  	v0 =	vadd.f32 @!p0 v2, v0  }
0x3f6: {  	v2 =	vld @!p0 [tilespmem:$0xC370]  }
0x3f7: {  	v0 =	vadd.f32 @!p0 v3, v0  }
0x3f8: {  	v3 =	vld @!p0 [tilespmem:$0xC380]  }
0x3f9: {  	v0 =	vadd.f32 @!p0 v1, v0  }
0x3fa: {  	v1 =	vld @!p0 [tilespmem:$0xC390]  }
0x3fb: {  	v0 =	vadd.f32 @!p0 v2, v0  }
0x3fc: {  	v2 =	vld @!p0 [tilespmem:$0xC3A0]  }
0x3fd: {  	v0 =	vadd.f32 @!p0 v3, v0  }
0x3fe: {  	v3 =	vld @!p0 [tilespmem:$0xC3B0]  }
0x3ff: {  	v0 =	vadd.f32 @!p0 v1, v0  }
0x400: {  	v1 =	vld @!p0 [tilespmem:$0xC3C0]  }
0x401: {  	v0 =	vadd.f32 @!p0 v2, v0  }
0x402: {  	v2 =	vld @!p0 [tilespmem:$0xC3D0]  }
0x403: {  	v0 =	vadd.f32 @!p0 v3, v0  }
0x404: {  	v3 =	vld @!p0 [tilespmem:$0xC3E0]  }
0x405: {  	v0 =	vadd.f32 @!p0 v1, v0  }
0x406: {  	v1 =	vld @!p0 [tilespmem:$0xC3F0]  }
0x407: {  	v0 =	vadd.f32 @!p0 v2, v0  }
0x408: {  	v2 =	vld @!p0 [tilespmem:$0xC400]  }
0x409: {  	v0 =	vadd.f32 @!p0 v3, v0  }
0x40a: {  	v3 =	vld @!p0 [tilespmem:$0xC410]  }
0x40b: {  	v0 =	vadd.f32 @!p0 v1, v0;
	_ =	sdelay $0x1  }
0x40c: {  	v0 =	vadd.f32 @!p0 v2, v0;
	_ =	sdelay $0x1  }
0x40d: {  	v0 =	vadd.f32 @!p0 v3, v0;
	_ =	sdelay $0x1  }
0x40e: {  	(xrf2) =	vadd.scan.msk.f32 @!p0 $0xffff, v0;
	_ =	sdelay $0x9  }
0x40f: {  	v0, _, _ =	vpop @!p0 (xrf2)  }
0x410: {  	v0 =	vbroadcast @!p0 v0, $0xF  }
0x411: {  	vm1 =	vmmov @!p0 $0x1;
	s20 =	sadd.s32 $0x1, s20  }
0x412: {  	p1 =	sne.s32 s20, s10;
	v0 =	vnsel @!p0 vm1, $0x0, v0  }
.Ltmp4:
0x413: {  	s21 =	simm.s32 @!p0 $0xC300;
	s15 =	simm.s32 @!p0 $0x0;
	[tilespmem:$0xC300] =	vst @!p0 v0;
	(pc) =	sbr.rel @p1 .LBB2_1-.Ltmp4, $4  }
0x414: {  	[hbm4b:s9+s15] =	stream.linear.scatter @!p0 [tilespmem:s21], [sflag:$0x2], $0x10, $0x38;
	[tilespmem:$0xC420] =	vst v63  }
0x415: {  	_ =	swait.ge @!p0 [sflag:s0], $0x10  }
0x416: {  	[sflag:s0] =	ssyncset.done @!p0 $0x0  }
0x417: {  	[sflag:s0] =	ssyncadd.s32 @!p0 $0xFFFFFFF0  }
0x418: {  	_ =	sfence.sel $0x180000  }
0x419: {  	[bflag:$0x0] =	sbarrier.arrive $0xFFFF  }
0x41a: {  	_ =	strace $0x90000047  }
0x41b: {  	[bflag:$0x2] =	sbarrier.arrive $0xFFFF  }
0x41c: {  	s0 =	rddreg [dreg:$0x3]  }
0x41d: {  	s0 =	sadd.s32 @!p0 $0x100000, s0  }
0x41e: {  	[sflag:s0] =	ssyncadd.tile.s32 @!p0 $0x1;
	_ =	shalt  }
.Lfunc_end2:
_tile_overlayer_lowered:
.L_overlay_start_2:
0x41f: {  	(tag) =	ssettag $0x2  }
0x420: {  	s0 =	rddreg [dreg:$0x0];
	s2 =	stileid.u32  }
0x421: {  	s1 =	rddreg [dreg:$0x1];
	p0 =	sne.s32 s2, $0x0  }
0x422: {  	s3 =	rddreg [dreg:$0x2];
	[bflag:$0x3] =	sbarrier.arrive $0xFFFF;
	s2 =	simm.s32 @!p0 $0x1C02  }
0x423: {  	[timem:s3], [sflag:s2] =	dma.local @!p0 [hbm:s0], s1  }
0x424: {  	s0 =	simm.s32 @!p0 $0x2  }
0x425: {  	_ =	swait.ge @!p0 [sflag:s0], s1  }
0x426: {  	s1 =	ssub.s32 @!p0 $0x0, s1;
	[sflag:s0] =	ssyncset.done @!p0 $0x0  }
0x427: {  	[sflag:s0] =	ssyncadd.s32 @!p0 s1  }
0x428: {  	[bflag:$0x3] =	sbarrier.arrive $0xFFFF  }
0x429: {  	_ =	shalt  }

</sc_bundles>
